<compile_context>
chip_gen: v7x
topology: tpu7x:2x2x1
jax: 0.10.2.dev20260603
libtpu: 0.0.44.dev20260713+nightly
codegen_flags: <defaults>
</compile_context>

<pallas_src>
import functools

import jax
import jax.numpy as jnp
from jax import lax
from jax.experimental import pallas as pl
from jax.experimental.pallas import tpu as pltpu
from jax.experimental.pallas import tpu_sc as plsc

_N = 5


def _gather_kernel(B, W, b_per_w, chunk, n_chunks, NC):
    mesh = plsc.VectorSubcoreMesh(core_axis_name="c", subcore_axis_name="s")
    N = _N
    n_sr = n_chunks // N

    @functools.partial(
        pl.kernel,
        mesh=mesh,
        out_type=jax.ShapeDtypeStruct((B, W), jnp.float32),
        compiler_params=pltpu.CompilerParams(use_tc_tiling_on_sc=False),
        scratch_types=[
            pltpu.VMEM((b_per_w,), jnp.int32),
            pltpu.VMEM((N, chunk, W), jnp.float32),
            pltpu.SemaphoreType.DMA,
            pltpu.SemaphoreType.DMA,
        ],
    )
    def k(tab_hbm, idx_hbm, out_hbm, idx_v, buf, gsem, ssem):
        wid = lax.axis_index("s") * NC + lax.axis_index("c")
        base = wid * b_per_w
        pltpu.sync_copy(idx_hbm.at[pl.ds(base, b_per_w)], idx_v)

        def gather(c, slot):
            return pltpu.make_async_copy(
                tab_hbm.at[idx_v.at[pl.ds(c * chunk, chunk)]],
                buf.at[slot],
                gsem,
            )

        def store(c, slot):
            return pltpu.make_async_copy(
                buf.at[slot, :, pl.ds(0, 64)],
                out_hbm.at[pl.ds(base + c * chunk, chunk), pl.ds(0, 64)],
                ssem,
            )

        for j in range(N - 1):
            gather(j, j).start()

        gather(0, 0).wait()
        store(0, 0).start()
        gather(N - 1, N - 1).start()
        for j in range(1, N):
            gather(j, j).wait()
            store(j, j).start()
            store(j - 1, j - 1).wait()
            gather(j + N - 1, j - 1).start()

        def body(o, carry):
            c0 = o * N
            for j in range(N):
                c = c0 + j
                gather(c, j).wait()
                store(c, j).start()
                store(c - 1, (j - 1) % N).wait()
                gather(c + N - 1, (j - 1) % N).start()
            return carry

        lax.fori_loop(1, n_sr - 1, body, 0)

        c0 = (n_sr - 1) * N
        gather(c0, 0).wait()
        store(c0, 0).start()
        store(c0 - 1, N - 1).wait()
        gather(c0 + N - 1, N - 1).start()
        for j in range(1, N):
            c = c0 + j
            gather(c, j).wait()
            store(c, j).start()
        for j in range(N):
            store(c0 + j, j).wait()

    return k


def kernel(x, table):
    B0, S = x.shape
    V, D = table.shape
    B = B0 * S
    W = 128
    idx = jnp.swapaxes(x, 0, 1).reshape(B).astype(jnp.int32)
    tab_p = jnp.pad(table, ((0, 0), (0, W - D)))

    info = plsc.get_sparse_core_info()
    NC, NS = info.num_cores, info.num_subcores
    NW = NC * NS
    b_per_w = B // NW
    chunk = 128
    n_chunks = b_per_w // chunk

    out = _gather_kernel(B, W, b_per_w, chunk, n_chunks, NC)(tab_p, idx)
    return jnp.swapaxes(out.reshape(S, B0, W)[:, :, :D], 0, 1)

# --- scband reference (transcript-rebuilt; emitter-appended) ---
"""Pipeline reference for scband-token-embedding-14405320311014 (READ-ONLY COPY).

The authoritative reference and input builder live on the scoring server;
editing this copy changes nothing except your own understanding.
"""

import jax, jax.numpy as jnp
import numpy as np

VOCAB = 1000000
D_MODEL = 64

def setup_inputs(seed: int = 0) -> dict:
    key = jax.random.key(seed)
    k1, k2 = jax.random.split(key)
    x = jax.random.randint(k1, (16384, 50), 0, VOCAB, dtype=jnp.int64 if jax.config.jax_enable_x64 else jnp.int32)
    # nn.Embedding default init: N(0, 1)
    table = jax.random.normal(k2, (VOCAB, D_MODEL), dtype=jnp.float32)
    return {"x": x, "table": table}

def reference(x, table):
    # TokenEmbedding.forward: self.embedding(x)
    return jnp.take(table, x, axis=0)

if __name__ == "__main__":
    import jax
    _d = setup_inputs()
    print(jax.jit(kernel)(*tuple(_d.values())))

</pallas_src>

<mosaic_0001>
#map = affine_map<(d0, d1) -> (0, 0)>
#map1 = affine_map<(d0, d1) -> (0)>
module attributes {stable_mosaic.version = 14 : i64} {
  func.func @k(%arg0: i32, %arg1: i32, %arg2: memref<1000000x128xf32, #tpu.memory_space<hbm>>, %arg3: memref<819200xi32, #tpu.memory_space<hbm>>, %arg4: memref<819200x128xf32, #tpu.memory_space<hbm>>, %arg5: memref<25600xi32, #tpu.memory_space<vmem>>, %arg6: memref<5x128x128xf32, #tpu.memory_space<vmem>>, %arg7: memref<!tpu.dma_semaphore, #tpu.memory_space<semaphore_mem>>, %arg8: memref<!tpu.dma_semaphore, #tpu.memory_space<semaphore_mem>>) attributes {dimension_semantics = [#tpu.dimension_semantics<core_parallel>, #tpu.dimension_semantics<subcore_parallel>], iteration_bounds = array<i64: 2, 16>, scalar_prefetch = 0 : i64, scratch_operands = 4 : i64, tpu.core_type = #tpu.core_type<sc_vector_subcore>, window_params = [{transform_indices = #map}, {transform_indices = #map1}, {transform_indices = #map}]} {
    %mul3A = arith.constant 2 : i32
    %mul3A_0 = arith.muli %arg1, %mul3A : i32
    %add3A = arith.addi %mul3A_0, %arg0 : i32
    %mul3A_1 = arith.constant 25600 : i32
    %mul3A_2 = arith.muli %add3A, %mul3A_1 : i32
    "tpu.region"() ({
      %run_scoped3A = tpu.sem_alloc : memref<!tpu.dma_semaphore, #tpu.memory_space<semaphore_mem>>
      %dma_start3A_506 = tpu.memref_slice %arg3[%mul3A_2] : memref<819200xi32, #tpu.memory_space<hbm>> -> memref<25600xi32, #tpu.memory_space<hbm>>
      %dma_start3A_507 = tpu.memref_slice %arg3[%mul3A_2] : memref<819200xi32, #tpu.memory_space<hbm>> -> memref<25600xi32, #tpu.memory_space<hbm>>
      tpu.enqueue_dma source(%dma_start3A_507 : memref<25600xi32, #tpu.memory_space<hbm>>) target(%arg5 : memref<25600xi32, #tpu.memory_space<vmem>>) target_semaphore(%run_scoped3A : memref<!tpu.dma_semaphore, #tpu.memory_space<semaphore_mem>>)
      %dma_wait3A_508 = tpu.memref_slice %arg3[%mul3A_2] : memref<819200xi32, #tpu.memory_space<hbm>> -> memref<25600xi32, #tpu.memory_space<hbm>>
      %dma_wait3A_509 = tpu.memref_slice %arg3[%mul3A_2] : memref<819200xi32, #tpu.memory_space<hbm>> -> memref<25600xi32, #tpu.memory_space<hbm>>
      tpu.wait_dma2 semaphore(%run_scoped3A : memref<!tpu.dma_semaphore, #tpu.memory_space<semaphore_mem>>) src(%dma_wait3A_509 : memref<25600xi32, #tpu.memory_space<hbm>>) dst(%arg5 : memref<25600xi32, #tpu.memory_space<vmem>>)
      tpu.yield
    }) : () -> ()
    %dma_start3A = arith.constant 0 : i32
    %dma_start3A_3 = arith.constant 0 : i32
    %dma_start3A_4 = arith.constant 0 : i32
    %dma_start3A_5 = tpu.memref_slice %arg6[%dma_start3A, %dma_start3A_3, %dma_start3A_4] : memref<5x128x128xf32, #tpu.memory_space<vmem>> -> memref<1x128x128xf32, #tpu.memory_space<vmem>>
    %dma_start3A_6 = tpu.memref_squeeze %dma_start3A_5 : memref<1x128x128xf32, #tpu.memory_space<vmem>> -> memref<128x128xf32, #tpu.memory_space<vmem>>
    %dma_start3A_7 = arith.constant 0 : i32
    %dma_start3A_8 = tpu.memref_slice %arg5[%dma_start3A_7] : memref<25600xi32, #tpu.memory_space<vmem>> -> memref<128xi32, #tpu.memory_space<vmem>>
    %dma_start3A_9 = arith.constant 0 : i32
    %dma_start3A_10 = arith.constant 0 : i32
    %dma_start3A_11 = tpu.memref_slice %arg2[%dma_start3A_9, %dma_start3A_10] : memref<1000000x128xf32, #tpu.memory_space<hbm>> -> memref<1000000x128xf32, #tpu.memory_space<hbm>>
    tpu.enqueue_indirect_dma source(%dma_start3A_11 : memref<1000000x128xf32, #tpu.memory_space<hbm>>) target(%dma_start3A_6 : memref<128x128xf32, #tpu.memory_space<vmem>>) offsets(%dma_start3A_8 : memref<128xi32, #tpu.memory_space<vmem>>) semaphore(%arg7 : memref<!tpu.dma_semaphore, #tpu.memory_space<semaphore_mem>>)
    %dma_start3A_12 = arith.constant 1 : i32
    %dma_start3A_13 = arith.constant 0 : i32
    %dma_start3A_14 = arith.constant 0 : i32
    %dma_start3A_15 = tpu.memref_slice %arg6[%dma_start3A_12, %dma_start3A_13, %dma_start3A_14] : memref<5x128x128xf32, #tpu.memory_space<vmem>> -> memref<1x128x128xf32, #tpu.memory_space<vmem>>
    %dma_start3A_16 = tpu.memref_squeeze %dma_start3A_15 : memref<1x128x128xf32, #tpu.memory_space<vmem>> -> memref<128x128xf32, #tpu.memory_space<vmem>>
    %dma_start3A_17 = arith.constant 128 : i32
    %dma_start3A_18 = tpu.memref_slice %arg5[%dma_start3A_17] : memref<25600xi32, #tpu.memory_space<vmem>> -> memref<128xi32, #tpu.memory_space<vmem>>
    %dma_start3A_19 = arith.constant 0 : i32
    %dma_start3A_20 = arith.constant 0 : i32
    %dma_start3A_21 = tpu.memref_slice %arg2[%dma_start3A_19, %dma_start3A_20] : memref<1000000x128xf32, #tpu.memory_space<hbm>> -> memref<1000000x128xf32, #tpu.memory_space<hbm>>
    tpu.enqueue_indirect_dma source(%dma_start3A_21 : memref<1000000x128xf32, #tpu.memory_space<hbm>>) target(%dma_start3A_16 : memref<128x128xf32, #tpu.memory_space<vmem>>) offsets(%dma_start3A_18 : memref<128xi32, #tpu.memory_space<vmem>>) semaphore(%arg7 : memref<!tpu.dma_semaphore, #tpu.memory_space<semaphore_mem>>)
    %dma_start3A_22 = arith.constant 2 : i32
    %dma_start3A_23 = arith.constant 0 : i32
    %dma_start3A_24 = arith.constant 0 : i32
    %dma_start3A_25 = tpu.memref_slice %arg6[%dma_start3A_22, %dma_start3A_23, %dma_start3A_24] : memref<5x128x128xf32, #tpu.memory_space<vmem>> -> memref<1x128x128xf32, #tpu.memory_space<vmem>>
    %dma_start3A_26 = tpu.memref_squeeze %dma_start3A_25 : memref<1x128x128xf32, #tpu.memory_space<vmem>> -> memref<128x128xf32, #tpu.memory_space<vmem>>
    %dma_start3A_27 = arith.constant 256 : i32
    %dma_start3A_28 = tpu.memref_slice %arg5[%dma_start3A_27] : memref<25600xi32, #tpu.memory_space<vmem>> -> memref<128xi32, #tpu.memory_space<vmem>>
    %dma_start3A_29 = arith.constant 0 : i32
    %dma_start3A_30 = arith.constant 0 : i32
    %dma_start3A_31 = tpu.memref_slice %arg2[%dma_start3A_29, %dma_start3A_30] : memref<1000000x128xf32, #tpu.memory_space<hbm>> -> memref<1000000x128xf32, #tpu.memory_space<hbm>>
    tpu.enqueue_indirect_dma source(%dma_start3A_31 : memref<1000000x128xf32, #tpu.memory_space<hbm>>) target(%dma_start3A_26 : memref<128x128xf32, #tpu.memory_space<vmem>>) offsets(%dma_start3A_28 : memref<128xi32, #tpu.memory_space<vmem>>) semaphore(%arg7 : memref<!tpu.dma_semaphore, #tpu.memory_space<semaphore_mem>>)
    %dma_start3A_32 = arith.constant 3 : i32
    %dma_start3A_33 = arith.constant 0 : i32
    %dma_start3A_34 = arith.constant 0 : i32
    %dma_start3A_35 = tpu.memref_slice %arg6[%dma_start3A_32, %dma_start3A_33, %dma_start3A_34] : memref<5x128x128xf32, #tpu.memory_space<vmem>> -> memref<1x128x128xf32, #tpu.memory_space<vmem>>
    %dma_start3A_36 = tpu.memref_squeeze %dma_start3A_35 : memref<1x128x128xf32, #tpu.memory_space<vmem>> -> memref<128x128xf32, #tpu.memory_space<vmem>>
    %dma_start3A_37 = arith.constant 384 : i32
    %dma_start3A_38 = tpu.memref_slice %arg5[%dma_start3A_37] : memref<25600xi32, #tpu.memory_space<vmem>> -> memref<128xi32, #tpu.memory_space<vmem>>
    %dma_start3A_39 = arith.constant 0 : i32
    %dma_start3A_40 = arith.constant 0 : i32
    %dma_start3A_41 = tpu.memref_slice %arg2[%dma_start3A_39, %dma_start3A_40] : memref<1000000x128xf32, #tpu.memory_space<hbm>> -> memref<1000000x128xf32, #tpu.memory_space<hbm>>
    tpu.enqueue_indirect_dma source(%dma_start3A_41 : memref<1000000x128xf32, #tpu.memory_space<hbm>>) target(%dma_start3A_36 : memref<128x128xf32, #tpu.memory_space<vmem>>) offsets(%dma_start3A_38 : memref<128xi32, #tpu.memory_space<vmem>>) semaphore(%arg7 : memref<!tpu.dma_semaphore, #tpu.memory_space<semaphore_mem>>)
    %dma_wait3A = arith.constant 0 : i32
    %dma_wait3A_42 = arith.constant 0 : i32
    %dma_wait3A_43 = arith.constant 0 : i32
    %dma_wait3A_44 = tpu.memref_slice %arg6[%dma_wait3A, %dma_wait3A_42, %dma_wait3A_43] : memref<5x128x128xf32, #tpu.memory_space<vmem>> -> memref<1x128x128xf32, #tpu.memory_space<vmem>>
    %dma_wait3A_45 = tpu.memref_squeeze %dma_wait3A_44 : memref<1x128x128xf32, #tpu.memory_space<vmem>> -> memref<128x128xf32, #tpu.memory_space<vmem>>
    %dma_wait3A_46 = arith.constant 0 : i32
    %dma_wait3A_47 = tpu.memref_slice %arg5[%dma_wait3A_46] : memref<25600xi32, #tpu.memory_space<vmem>> -> memref<128xi32, #tpu.memory_space<vmem>>
    %dma_wait3A_48 = arith.constant 0 : i32
    %dma_wait3A_49 = arith.constant 0 : i32
    %dma_wait3A_50 = tpu.memref_slice %arg2[%dma_wait3A_48, %dma_wait3A_49] : memref<1000000x128xf32, #tpu.memory_space<hbm>> -> memref<1000000x128xf32, #tpu.memory_space<hbm>>
    tpu.wait_indirect_dma semaphore(%arg7 : memref<!tpu.dma_semaphore, #tpu.memory_space<semaphore_mem>>) src(%dma_wait3A_50 : memref<1000000x128xf32, #tpu.memory_space<hbm>>) dst(%dma_wait3A_45 : memref<128x128xf32, #tpu.memory_space<vmem>>)
    %add3A_51 = arith.constant 0 : i32
    %add3A_52 = arith.addi %mul3A_2, %add3A_51 : i32
    %dma_start3A_53 = arith.constant 0 : i32
    %dma_start3A_54 = arith.constant 0 : i32
    %dma_start3A_55 = arith.constant 0 : i32
    %dma_start3A_56 = tpu.memref_slice %arg6[%dma_start3A_53, %dma_start3A_54, %dma_start3A_55] : memref<5x128x128xf32, #tpu.memory_space<vmem>> -> memref<1x128x64xf32, #tpu.memory_space<vmem>>
    %dma_start3A_57 = tpu.memref_squeeze %dma_start3A_56 : memref<1x128x64xf32, #tpu.memory_space<vmem>> -> memref<128x64xf32, #tpu.memory_space<vmem>>
    %dma_start3A_58 = arith.constant 0 : i32
    %dma_start3A_59 = tpu.memref_slice %arg4[%add3A_52, %dma_start3A_58] : memref<819200x128xf32, #tpu.memory_space<hbm>> -> memref<128x64xf32, #tpu.memory_space<hbm>>
    %dma_start3A_60 = arith.constant 0 : i32
    %dma_start3A_61 = tpu.memref_slice %arg4[%add3A_52, %dma_start3A_60] : memref<819200x128xf32, #tpu.memory_space<hbm>> -> memref<128x64xf32, #tpu.memory_space<hbm>>
    %dma_start3A_62 = arith.constant 0 : i32
    %dma_start3A_63 = arith.constant 0 : i32
    %dma_start3A_64 = tpu.memref_slice %arg6[%dma_start3A_53, %dma_start3A_62, %dma_start3A_63] : memref<5x128x128xf32, #tpu.memory_space<vmem>> -> memref<1x128x64xf32, #tpu.memory_space<vmem>>
    %dma_start3A_65 = tpu.memref_squeeze %dma_start3A_64 : memref<1x128x64xf32, #tpu.memory_space<vmem>> -> memref<128x64xf32, #tpu.memory_space<vmem>>
    tpu.enqueue_dma source(%dma_start3A_65 : memref<128x64xf32, #tpu.memory_space<vmem>>) target(%dma_start3A_61 : memref<128x64xf32, #tpu.memory_space<hbm>>) target_semaphore(%arg8 : memref<!tpu.dma_semaphore, #tpu.memory_space<semaphore_mem>>)
    %dma_start3A_66 = arith.constant 4 : i32
    %dma_start3A_67 = arith.constant 0 : i32
    %dma_start3A_68 = arith.constant 0 : i32
    %dma_start3A_69 = tpu.memref_slice %arg6[%dma_start3A_66, %dma_start3A_67, %dma_start3A_68] : memref<5x128x128xf32, #tpu.memory_space<vmem>> -> memref<1x128x128xf32, #tpu.memory_space<vmem>>
    %dma_start3A_70 = tpu.memref_squeeze %dma_start3A_69 : memref<1x128x128xf32, #tpu.memory_space<vmem>> -> memref<128x128xf32, #tpu.memory_space<vmem>>
    %dma_start3A_71 = arith.constant 512 : i32
    %dma_start3A_72 = tpu.memref_slice %arg5[%dma_start3A_71] : memref<25600xi32, #tpu.memory_space<vmem>> -> memref<128xi32, #tpu.memory_space<vmem>>
    %dma_start3A_73 = arith.constant 0 : i32
    %dma_start3A_74 = arith.constant 0 : i32
    %dma_start3A_75 = tpu.memref_slice %arg2[%dma_start3A_73, %dma_start3A_74] : memref<1000000x128xf32, #tpu.memory_space<hbm>> -> memref<1000000x128xf32, #tpu.memory_space<hbm>>
    tpu.enqueue_indirect_dma source(%dma_start3A_75 : memref<1000000x128xf32, #tpu.memory_space<hbm>>) target(%dma_start3A_70 : memref<128x128xf32, #tpu.memory_space<vmem>>) offsets(%dma_start3A_72 : memref<128xi32, #tpu.memory_space<vmem>>) semaphore(%arg7 : memref<!tpu.dma_semaphore, #tpu.memory_space<semaphore_mem>>)
    %dma_wait3A_76 = arith.constant 1 : i32
    %dma_wait3A_77 = arith.constant 0 : i32
    %dma_wait3A_78 = arith.constant 0 : i32
    %dma_wait3A_79 = tpu.memref_slice %arg6[%dma_wait3A_76, %dma_wait3A_77, %dma_wait3A_78] : memref<5x128x128xf32, #tpu.memory_space<vmem>> -> memref<1x128x128xf32, #tpu.memory_space<vmem>>
    %dma_wait3A_80 = tpu.memref_squeeze %dma_wait3A_79 : memref<1x128x128xf32, #tpu.memory_space<vmem>> -> memref<128x128xf32, #tpu.memory_space<vmem>>
    %dma_wait3A_81 = arith.constant 128 : i32
    %dma_wait3A_82 = tpu.memref_slice %arg5[%dma_wait3A_81] : memref<25600xi32, #tpu.memory_space<vmem>> -> memref<128xi32, #tpu.memory_space<vmem>>
    %dma_wait3A_83 = arith.constant 0 : i32
    %dma_wait3A_84 = arith.constant 0 : i32
    %dma_wait3A_85 = tpu.memref_slice %arg2[%dma_wait3A_83, %dma_wait3A_84] : memref<1000000x128xf32, #tpu.memory_space<hbm>> -> memref<1000000x128xf32, #tpu.memory_space<hbm>>
    tpu.wait_indirect_dma semaphore(%arg7 : memref<!tpu.dma_semaphore, #tpu.memory_space<semaphore_mem>>) src(%dma_wait3A_85 : memref<1000000x128xf32, #tpu.memory_space<hbm>>) dst(%dma_wait3A_80 : memref<128x128xf32, #tpu.memory_space<vmem>>)
    %add3A_86 = arith.constant 128 : i32
    %add3A_87 = arith.addi %mul3A_2, %add3A_86 : i32
    %dma_start3A_88 = arith.constant 1 : i32
    %dma_start3A_89 = arith.constant 0 : i32
    %dma_start3A_90 = arith.constant 0 : i32
    %dma_start3A_91 = tpu.memref_slice %arg6[%dma_start3A_88, %dma_start3A_89, %dma_start3A_90] : memref<5x128x128xf32, #tpu.memory_space<vmem>> -> memref<1x128x64xf32, #tpu.memory_space<vmem>>
    %dma_start3A_92 = tpu.memref_squeeze %dma_start3A_91 : memref<1x128x64xf32, #tpu.memory_space<vmem>> -> memref<128x64xf32, #tpu.memory_space<vmem>>
    %dma_start3A_93 = arith.constant 0 : i32
    %dma_start3A_94 = tpu.memref_slice %arg4[%add3A_87, %dma_start3A_93] : memref<819200x128xf32, #tpu.memory_space<hbm>> -> memref<128x64xf32, #tpu.memory_space<hbm>>
    %dma_start3A_95 = arith.constant 0 : i32
    %dma_start3A_96 = tpu.memref_slice %arg4[%add3A_87, %dma_start3A_95] : memref<819200x128xf32, #tpu.memory_space<hbm>> -> memref<128x64xf32, #tpu.memory_space<hbm>>
    %dma_start3A_97 = arith.constant 0 : i32
    %dma_start3A_98 = arith.constant 0 : i32
    %dma_start3A_99 = tpu.memref_slice %arg6[%dma_start3A_88, %dma_start3A_97, %dma_start3A_98] : memref<5x128x128xf32, #tpu.memory_space<vmem>> -> memref<1x128x64xf32, #tpu.memory_space<vmem>>
    %dma_start3A_100 = tpu.memref_squeeze %dma_start3A_99 : memref<1x128x64xf32, #tpu.memory_space<vmem>> -> memref<128x64xf32, #tpu.memory_space<vmem>>
    tpu.enqueue_dma source(%dma_start3A_100 : memref<128x64xf32, #tpu.memory_space<vmem>>) target(%dma_start3A_96 : memref<128x64xf32, #tpu.memory_space<hbm>>) target_semaphore(%arg8 : memref<!tpu.dma_semaphore, #tpu.memory_space<semaphore_mem>>)
    %add3A_101 = arith.constant 0 : i32
    %add3A_102 = arith.addi %mul3A_2, %add3A_101 : i32
    %dma_wait3A_103 = arith.constant 0 : i32
    %dma_wait3A_104 = arith.constant 0 : i32
    %dma_wait3A_105 = arith.constant 0 : i32
    %dma_wait3A_106 = tpu.memref_slice %arg6[%dma_wait3A_103, %dma_wait3A_104, %dma_wait3A_105] : memref<5x128x128xf32, #tpu.memory_space<vmem>> -> memref<1x128x64xf32, #tpu.memory_space<vmem>>
    %dma_wait3A_107 = tpu.memref_squeeze %dma_wait3A_106 : memref<1x128x64xf32, #tpu.memory_space<vmem>> -> memref<128x64xf32, #tpu.memory_space<vmem>>
    %dma_wait3A_108 = arith.constant 0 : i32
    %dma_wait3A_109 = tpu.memref_slice %arg4[%add3A_102, %dma_wait3A_108] : memref<819200x128xf32, #tpu.memory_space<hbm>> -> memref<128x64xf32, #tpu.memory_space<hbm>>
    %dma_wait3A_110 = arith.constant 0 : i32
    %dma_wait3A_111 = tpu.memref_slice %arg4[%add3A_102, %dma_wait3A_110] : memref<819200x128xf32, #tpu.memory_space<hbm>> -> memref<128x64xf32, #tpu.memory_space<hbm>>
    %dma_wait3A_112 = arith.constant 0 : i32
    %dma_wait3A_113 = arith.constant 0 : i32
    %dma_wait3A_114 = tpu.memref_slice %arg6[%dma_wait3A_103, %dma_wait3A_112, %dma_wait3A_113] : memref<5x128x128xf32, #tpu.memory_space<vmem>> -> memref<1x128x64xf32, #tpu.memory_space<vmem>>
    %dma_wait3A_115 = tpu.memref_squeeze %dma_wait3A_114 : memref<1x128x64xf32, #tpu.memory_space<vmem>> -> memref<128x64xf32, #tpu.memory_space<vmem>>
    tpu.wait_dma2 semaphore(%arg8 : memref<!tpu.dma_semaphore, #tpu.memory_space<semaphore_mem>>) src(%dma_wait3A_115 : memref<128x64xf32, #tpu.memory_space<vmem>>) dst(%dma_wait3A_111 : memref<128x64xf32, #tpu.memory_space<hbm>>)
    %dma_start3A_116 = arith.constant 0 : i32
    %dma_start3A_117 = arith.constant 0 : i32
    %dma_start3A_118 = arith.constant 0 : i32
    %dma_start3A_119 = tpu.memref_slice %arg6[%dma_start3A_116, %dma_start3A_117, %dma_start3A_118] : memref<5x128x128xf32, #tpu.memory_space<vmem>> -> memref<1x128x128xf32, #tpu.memory_space<vmem>>
    %dma_start3A_120 = tpu.memref_squeeze %dma_start3A_119 : memref<1x128x128xf32, #tpu.memory_space<vmem>> -> memref<128x128xf32, #tpu.memory_space<vmem>>
    %dma_start3A_121 = arith.constant 640 : i32
    %dma_start3A_122 = tpu.memref_slice %arg5[%dma_start3A_121] : memref<25600xi32, #tpu.memory_space<vmem>> -> memref<128xi32, #tpu.memory_space<vmem>>
    %dma_start3A_123 = arith.constant 0 : i32
    %dma_start3A_124 = arith.constant 0 : i32
    %dma_start3A_125 = tpu.memref_slice %arg2[%dma_start3A_123, %dma_start3A_124] : memref<1000000x128xf32, #tpu.memory_space<hbm>> -> memref<1000000x128xf32, #tpu.memory_space<hbm>>
    tpu.enqueue_indirect_dma source(%dma_start3A_125 : memref<1000000x128xf32, #tpu.memory_space<hbm>>) target(%dma_start3A_120 : memref<128x128xf32, #tpu.memory_space<vmem>>) offsets(%dma_start3A_122 : memref<128xi32, #tpu.memory_space<vmem>>) semaphore(%arg7 : memref<!tpu.dma_semaphore, #tpu.memory_space<semaphore_mem>>)
    %dma_wait3A_126 = arith.constant 2 : i32
    %dma_wait3A_127 = arith.constant 0 : i32
    %dma_wait3A_128 = arith.constant 0 : i32
    %dma_wait3A_129 = tpu.memref_slice %arg6[%dma_wait3A_126, %dma_wait3A_127, %dma_wait3A_128] : memref<5x128x128xf32, #tpu.memory_space<vmem>> -> memref<1x128x128xf32, #tpu.memory_space<vmem>>
    %dma_wait3A_130 = tpu.memref_squeeze %dma_wait3A_129 : memref<1x128x128xf32, #tpu.memory_space<vmem>> -> memref<128x128xf32, #tpu.memory_space<vmem>>
    %dma_wait3A_131 = arith.constant 256 : i32
    %dma_wait3A_132 = tpu.memref_slice %arg5[%dma_wait3A_131] : memref<25600xi32, #tpu.memory_space<vmem>> -> memref<128xi32, #tpu.memory_space<vmem>>
    %dma_wait3A_133 = arith.constant 0 : i32
    %dma_wait3A_134 = arith.constant 0 : i32
    %dma_wait3A_135 = tpu.memref_slice %arg2[%dma_wait3A_133, %dma_wait3A_134] : memref<1000000x128xf32, #tpu.memory_space<hbm>> -> memref<1000000x128xf32, #tpu.memory_space<hbm>>
    tpu.wait_indirect_dma semaphore(%arg7 : memref<!tpu.dma_semaphore, #tpu.memory_space<semaphore_mem>>) src(%dma_wait3A_135 : memref<1000000x128xf32, #tpu.memory_space<hbm>>) dst(%dma_wait3A_130 : memref<128x128xf32, #tpu.memory_space<vmem>>)
    %add3A_136 = arith.constant 256 : i32
    %add3A_137 = arith.addi %mul3A_2, %add3A_136 : i32
    %dma_start3A_138 = arith.constant 2 : i32
    %dma_start3A_139 = arith.constant 0 : i32
    %dma_start3A_140 = arith.constant 0 : i32
    %dma_start3A_141 = tpu.memref_slice %arg6[%dma_start3A_138, %dma_start3A_139, %dma_start3A_140] : memref<5x128x128xf32, #tpu.memory_space<vmem>> -> memref<1x128x64xf32, #tpu.memory_space<vmem>>
    %dma_start3A_142 = tpu.memref_squeeze %dma_start3A_141 : memref<1x128x64xf32, #tpu.memory_space<vmem>> -> memref<128x64xf32, #tpu.memory_space<vmem>>
    %dma_start3A_143 = arith.constant 0 : i32
    %dma_start3A_144 = tpu.memref_slice %arg4[%add3A_137, %dma_start3A_143] : memref<819200x128xf32, #tpu.memory_space<hbm>> -> memref<128x64xf32, #tpu.memory_space<hbm>>
    %dma_start3A_145 = arith.constant 0 : i32
    %dma_start3A_146 = tpu.memref_slice %arg4[%add3A_137, %dma_start3A_145] : memref<819200x128xf32, #tpu.memory_space<hbm>> -> memref<128x64xf32, #tpu.memory_space<hbm>>
    %dma_start3A_147 = arith.constant 0 : i32
    %dma_start3A_148 = arith.constant 0 : i32
    %dma_start3A_149 = tpu.memref_slice %arg6[%dma_start3A_138, %dma_start3A_147, %dma_start3A_148] : memref<5x128x128xf32, #tpu.memory_space<vmem>> -> memref<1x128x64xf32, #tpu.memory_space<vmem>>
    %dma_start3A_150 = tpu.memref_squeeze %dma_start3A_149 : memref<1x128x64xf32, #tpu.memory_space<vmem>> -> memref<128x64xf32, #tpu.memory_space<vmem>>
    tpu.enqueue_dma source(%dma_start3A_150 : memref<128x64xf32, #tpu.memory_space<vmem>>) target(%dma_start3A_146 : memref<128x64xf32, #tpu.memory_space<hbm>>) target_semaphore(%arg8 : memref<!tpu.dma_semaphore, #tpu.memory_space<semaphore_mem>>)
    %add3A_151 = arith.constant 128 : i32
    %add3A_152 = arith.addi %mul3A_2, %add3A_151 : i32
    %dma_wait3A_153 = arith.constant 1 : i32
    %dma_wait3A_154 = arith.constant 0 : i32
    %dma_wait3A_155 = arith.constant 0 : i32
    %dma_wait3A_156 = tpu.memref_slice %arg6[%dma_wait3A_153, %dma_wait3A_154, %dma_wait3A_155] : memref<5x128x128xf32, #tpu.memory_space<vmem>> -> memref<1x128x64xf32, #tpu.memory_space<vmem>>
    %dma_wait3A_157 = tpu.memref_squeeze %dma_wait3A_156 : memref<1x128x64xf32, #tpu.memory_space<vmem>> -> memref<128x64xf32, #tpu.memory_space<vmem>>
    %dma_wait3A_158 = arith.constant 0 : i32
    %dma_wait3A_159 = tpu.memref_slice %arg4[%add3A_152, %dma_wait3A_158] : memref<819200x128xf32, #tpu.memory_space<hbm>> -> memref<128x64xf32, #tpu.memory_space<hbm>>
    %dma_wait3A_160 = arith.constant 0 : i32
    %dma_wait3A_161 = tpu.memref_slice %arg4[%add3A_152, %dma_wait3A_160] : memref<819200x128xf32, #tpu.memory_space<hbm>> -> memref<128x64xf32, #tpu.memory_space<hbm>>
    %dma_wait3A_162 = arith.constant 0 : i32
    %dma_wait3A_163 = arith.constant 0 : i32
    %dma_wait3A_164 = tpu.memref_slice %arg6[%dma_wait3A_153, %dma_wait3A_162, %dma_wait3A_163] : memref<5x128x128xf32, #tpu.memory_space<vmem>> -> memref<1x128x64xf32, #tpu.memory_space<vmem>>
    %dma_wait3A_165 = tpu.memref_squeeze %dma_wait3A_164 : memref<1x128x64xf32, #tpu.memory_space<vmem>> -> memref<128x64xf32, #tpu.memory_space<vmem>>
    tpu.wait_dma2 semaphore(%arg8 : memref<!tpu.dma_semaphore, #tpu.memory_space<semaphore_mem>>) src(%dma_wait3A_165 : memref<128x64xf32, #tpu.memory_space<vmem>>) dst(%dma_wait3A_161 : memref<128x64xf32, #tpu.memory_space<hbm>>)
    %dma_start3A_166 = arith.constant 1 : i32
    %dma_start3A_167 = arith.constant 0 : i32
    %dma_start3A_168 = arith.constant 0 : i32
    %dma_start3A_169 = tpu.memref_slice %arg6[%dma_start3A_166, %dma_start3A_167, %dma_start3A_168] : memref<5x128x128xf32, #tpu.memory_space<vmem>> -> memref<1x128x128xf32, #tpu.memory_space<vmem>>
    %dma_start3A_170 = tpu.memref_squeeze %dma_start3A_169 : memref<1x128x128xf32, #tpu.memory_space<vmem>> -> memref<128x128xf32, #tpu.memory_space<vmem>>
    %dma_start3A_171 = arith.constant 768 : i32
    %dma_start3A_172 = tpu.memref_slice %arg5[%dma_start3A_171] : memref<25600xi32, #tpu.memory_space<vmem>> -> memref<128xi32, #tpu.memory_space<vmem>>
    %dma_start3A_173 = arith.constant 0 : i32
    %dma_start3A_174 = arith.constant 0 : i32
    %dma_start3A_175 = tpu.memref_slice %arg2[%dma_start3A_173, %dma_start3A_174] : memref<1000000x128xf32, #tpu.memory_space<hbm>> -> memref<1000000x128xf32, #tpu.memory_space<hbm>>
    tpu.enqueue_indirect_dma source(%dma_start3A_175 : memref<1000000x128xf32, #tpu.memory_space<hbm>>) target(%dma_start3A_170 : memref<128x128xf32, #tpu.memory_space<vmem>>) offsets(%dma_start3A_172 : memref<128xi32, #tpu.memory_space<vmem>>) semaphore(%arg7 : memref<!tpu.dma_semaphore, #tpu.memory_space<semaphore_mem>>)
    %dma_wait3A_176 = arith.constant 3 : i32
    %dma_wait3A_177 = arith.constant 0 : i32
    %dma_wait3A_178 = arith.constant 0 : i32
    %dma_wait3A_179 = tpu.memref_slice %arg6[%dma_wait3A_176, %dma_wait3A_177, %dma_wait3A_178] : memref<5x128x128xf32, #tpu.memory_space<vmem>> -> memref<1x128x128xf32, #tpu.memory_space<vmem>>
    %dma_wait3A_180 = tpu.memref_squeeze %dma_wait3A_179 : memref<1x128x128xf32, #tpu.memory_space<vmem>> -> memref<128x128xf32, #tpu.memory_space<vmem>>
    %dma_wait3A_181 = arith.constant 384 : i32
    %dma_wait3A_182 = tpu.memref_slice %arg5[%dma_wait3A_181] : memref<25600xi32, #tpu.memory_space<vmem>> -> memref<128xi32, #tpu.memory_space<vmem>>
    %dma_wait3A_183 = arith.constant 0 : i32
    %dma_wait3A_184 = arith.constant 0 : i32
    %dma_wait3A_185 = tpu.memref_slice %arg2[%dma_wait3A_183, %dma_wait3A_184] : memref<1000000x128xf32, #tpu.memory_space<hbm>> -> memref<1000000x128xf32, #tpu.memory_space<hbm>>
    tpu.wait_indirect_dma semaphore(%arg7 : memref<!tpu.dma_semaphore, #tpu.memory_space<semaphore_mem>>) src(%dma_wait3A_185 : memref<1000000x128xf32, #tpu.memory_space<hbm>>) dst(%dma_wait3A_180 : memref<128x128xf32, #tpu.memory_space<vmem>>)
    %add3A_186 = arith.constant 384 : i32
    %add3A_187 = arith.addi %mul3A_2, %add3A_186 : i32
    %dma_start3A_188 = arith.constant 3 : i32
    %dma_start3A_189 = arith.constant 0 : i32
    %dma_start3A_190 = arith.constant 0 : i32
    %dma_start3A_191 = tpu.memref_slice %arg6[%dma_start3A_188, %dma_start3A_189, %dma_start3A_190] : memref<5x128x128xf32, #tpu.memory_space<vmem>> -> memref<1x128x64xf32, #tpu.memory_space<vmem>>
    %dma_start3A_192 = tpu.memref_squeeze %dma_start3A_191 : memref<1x128x64xf32, #tpu.memory_space<vmem>> -> memref<128x64xf32, #tpu.memory_space<vmem>>
    %dma_start3A_193 = arith.constant 0 : i32
    %dma_start3A_194 = tpu.memref_slice %arg4[%add3A_187, %dma_start3A_193] : memref<819200x128xf32, #tpu.memory_space<hbm>> -> memref<128x64xf32, #tpu.memory_space<hbm>>
    %dma_start3A_195 = arith.constant 0 : i32
    %dma_start3A_196 = tpu.memref_slice %arg4[%add3A_187, %dma_start3A_195] : memref<819200x128xf32, #tpu.memory_space<hbm>> -> memref<128x64xf32, #tpu.memory_space<hbm>>
    %dma_start3A_197 = arith.constant 0 : i32
    %dma_start3A_198 = arith.constant 0 : i32
    %dma_start3A_199 = tpu.memref_slice %arg6[%dma_start3A_188, %dma_start3A_197, %dma_start3A_198] : memref<5x128x128xf32, #tpu.memory_space<vmem>> -> memref<1x128x64xf32, #tpu.memory_space<vmem>>
    %dma_start3A_200 = tpu.memref_squeeze %dma_start3A_199 : memref<1x128x64xf32, #tpu.memory_space<vmem>> -> memref<128x64xf32, #tpu.memory_space<vmem>>
    tpu.enqueue_dma source(%dma_start3A_200 : memref<128x64xf32, #tpu.memory_space<vmem>>) target(%dma_start3A_196 : memref<128x64xf32, #tpu.memory_space<hbm>>) target_semaphore(%arg8 : memref<!tpu.dma_semaphore, #tpu.memory_space<semaphore_mem>>)
    %add3A_201 = arith.constant 256 : i32
    %add3A_202 = arith.addi %mul3A_2, %add3A_201 : i32
    %dma_wait3A_203 = arith.constant 2 : i32
    %dma_wait3A_204 = arith.constant 0 : i32
    %dma_wait3A_205 = arith.constant 0 : i32
    %dma_wait3A_206 = tpu.memref_slice %arg6[%dma_wait3A_203, %dma_wait3A_204, %dma_wait3A_205] : memref<5x128x128xf32, #tpu.memory_space<vmem>> -> memref<1x128x64xf32, #tpu.memory_space<vmem>>
    %dma_wait3A_207 = tpu.memref_squeeze %dma_wait3A_206 : memref<1x128x64xf32, #tpu.memory_space<vmem>> -> memref<128x64xf32, #tpu.memory_space<vmem>>
    %dma_wait3A_208 = arith.constant 0 : i32
    %dma_wait3A_209 = tpu.memref_slice %arg4[%add3A_202, %dma_wait3A_208] : memref<819200x128xf32, #tpu.memory_space<hbm>> -> memref<128x64xf32, #tpu.memory_space<hbm>>
    %dma_wait3A_210 = arith.constant 0 : i32
    %dma_wait3A_211 = tpu.memref_slice %arg4[%add3A_202, %dma_wait3A_210] : memref<819200x128xf32, #tpu.memory_space<hbm>> -> memref<128x64xf32, #tpu.memory_space<hbm>>
    %dma_wait3A_212 = arith.constant 0 : i32
    %dma_wait3A_213 = arith.constant 0 : i32
    %dma_wait3A_214 = tpu.memref_slice %arg6[%dma_wait3A_203, %dma_wait3A_212, %dma_wait3A_213] : memref<5x128x128xf32, #tpu.memory_space<vmem>> -> memref<1x128x64xf32, #tpu.memory_space<vmem>>
    %dma_wait3A_215 = tpu.memref_squeeze %dma_wait3A_214 : memref<1x128x64xf32, #tpu.memory_space<vmem>> -> memref<128x64xf32, #tpu.memory_space<vmem>>
    tpu.wait_dma2 semaphore(%arg8 : memref<!tpu.dma_semaphore, #tpu.memory_space<semaphore_mem>>) src(%dma_wait3A_215 : memref<128x64xf32, #tpu.memory_space<vmem>>) dst(%dma_wait3A_211 : memref<128x64xf32, #tpu.memory_space<hbm>>)
    %dma_start3A_216 = arith.constant 2 : i32
    %dma_start3A_217 = arith.constant 0 : i32
    %dma_start3A_218 = arith.constant 0 : i32
    %dma_start3A_219 = tpu.memref_slice %arg6[%dma_start3A_216, %dma_start3A_217, %dma_start3A_218] : memref<5x128x128xf32, #tpu.memory_space<vmem>> -> memref<1x128x128xf32, #tpu.memory_space<vmem>>
    %dma_start3A_220 = tpu.memref_squeeze %dma_start3A_219 : memref<1x128x128xf32, #tpu.memory_space<vmem>> -> memref<128x128xf32, #tpu.memory_space<vmem>>
    %dma_start3A_221 = arith.constant 896 : i32
    %dma_start3A_222 = tpu.memref_slice %arg5[%dma_start3A_221] : memref<25600xi32, #tpu.memory_space<vmem>> -> memref<128xi32, #tpu.memory_space<vmem>>
    %dma_start3A_223 = arith.constant 0 : i32
    %dma_start3A_224 = arith.constant 0 : i32
    %dma_start3A_225 = tpu.memref_slice %arg2[%dma_start3A_223, %dma_start3A_224] : memref<1000000x128xf32, #tpu.memory_space<hbm>> -> memref<1000000x128xf32, #tpu.memory_space<hbm>>
    tpu.enqueue_indirect_dma source(%dma_start3A_225 : memref<1000000x128xf32, #tpu.memory_space<hbm>>) target(%dma_start3A_220 : memref<128x128xf32, #tpu.memory_space<vmem>>) offsets(%dma_start3A_222 : memref<128xi32, #tpu.memory_space<vmem>>) semaphore(%arg7 : memref<!tpu.dma_semaphore, #tpu.memory_space<semaphore_mem>>)
    %dma_wait3A_226 = arith.constant 4 : i32
    %dma_wait3A_227 = arith.constant 0 : i32
    %dma_wait3A_228 = arith.constant 0 : i32
    %dma_wait3A_229 = tpu.memref_slice %arg6[%dma_wait3A_226, %dma_wait3A_227, %dma_wait3A_228] : memref<5x128x128xf32, #tpu.memory_space<vmem>> -> memref<1x128x128xf32, #tpu.memory_space<vmem>>
    %dma_wait3A_230 = tpu.memref_squeeze %dma_wait3A_229 : memref<1x128x128xf32, #tpu.memory_space<vmem>> -> memref<128x128xf32, #tpu.memory_space<vmem>>
    %dma_wait3A_231 = arith.constant 512 : i32
    %dma_wait3A_232 = tpu.memref_slice %arg5[%dma_wait3A_231] : memref<25600xi32, #tpu.memory_space<vmem>> -> memref<128xi32, #tpu.memory_space<vmem>>
    %dma_wait3A_233 = arith.constant 0 : i32
    %dma_wait3A_234 = arith.constant 0 : i32
    %dma_wait3A_235 = tpu.memref_slice %arg2[%dma_wait3A_233, %dma_wait3A_234] : memref<1000000x128xf32, #tpu.memory_space<hbm>> -> memref<1000000x128xf32, #tpu.memory_space<hbm>>
    tpu.wait_indirect_dma semaphore(%arg7 : memref<!tpu.dma_semaphore, #tpu.memory_space<semaphore_mem>>) src(%dma_wait3A_235 : memref<1000000x128xf32, #tpu.memory_space<hbm>>) dst(%dma_wait3A_230 : memref<128x128xf32, #tpu.memory_space<vmem>>)
    %add3A_236 = arith.constant 512 : i32
    %add3A_237 = arith.addi %mul3A_2, %add3A_236 : i32
    %dma_start3A_238 = arith.constant 4 : i32
    %dma_start3A_239 = arith.constant 0 : i32
    %dma_start3A_240 = arith.constant 0 : i32
    %dma_start3A_241 = tpu.memref_slice %arg6[%dma_start3A_238, %dma_start3A_239, %dma_start3A_240] : memref<5x128x128xf32, #tpu.memory_space<vmem>> -> memref<1x128x64xf32, #tpu.memory_space<vmem>>
    %dma_start3A_242 = tpu.memref_squeeze %dma_start3A_241 : memref<1x128x64xf32, #tpu.memory_space<vmem>> -> memref<128x64xf32, #tpu.memory_space<vmem>>
    %dma_start3A_243 = arith.constant 0 : i32
    %dma_start3A_244 = tpu.memref_slice %arg4[%add3A_237, %dma_start3A_243] : memref<819200x128xf32, #tpu.memory_space<hbm>> -> memref<128x64xf32, #tpu.memory_space<hbm>>
    %dma_start3A_245 = arith.constant 0 : i32
    %dma_start3A_246 = tpu.memref_slice %arg4[%add3A_237, %dma_start3A_245] : memref<819200x128xf32, #tpu.memory_space<hbm>> -> memref<128x64xf32, #tpu.memory_space<hbm>>
    %dma_start3A_247 = arith.constant 0 : i32
    %dma_start3A_248 = arith.constant 0 : i32
    %dma_start3A_249 = tpu.memref_slice %arg6[%dma_start3A_238, %dma_start3A_247, %dma_start3A_248] : memref<5x128x128xf32, #tpu.memory_space<vmem>> -> memref<1x128x64xf32, #tpu.memory_space<vmem>>
    %dma_start3A_250 = tpu.memref_squeeze %dma_start3A_249 : memref<1x128x64xf32, #tpu.memory_space<vmem>> -> memref<128x64xf32, #tpu.memory_space<vmem>>
    tpu.enqueue_dma source(%dma_start3A_250 : memref<128x64xf32, #tpu.memory_space<vmem>>) target(%dma_start3A_246 : memref<128x64xf32, #tpu.memory_space<hbm>>) target_semaphore(%arg8 : memref<!tpu.dma_semaphore, #tpu.memory_space<semaphore_mem>>)
    %add3A_251 = arith.constant 384 : i32
    %add3A_252 = arith.addi %mul3A_2, %add3A_251 : i32
    %dma_wait3A_253 = arith.constant 3 : i32
    %dma_wait3A_254 = arith.constant 0 : i32
    %dma_wait3A_255 = arith.constant 0 : i32
    %dma_wait3A_256 = tpu.memref_slice %arg6[%dma_wait3A_253, %dma_wait3A_254, %dma_wait3A_255] : memref<5x128x128xf32, #tpu.memory_space<vmem>> -> memref<1x128x64xf32, #tpu.memory_space<vmem>>
    %dma_wait3A_257 = tpu.memref_squeeze %dma_wait3A_256 : memref<1x128x64xf32, #tpu.memory_space<vmem>> -> memref<128x64xf32, #tpu.memory_space<vmem>>
    %dma_wait3A_258 = arith.constant 0 : i32
    %dma_wait3A_259 = tpu.memref_slice %arg4[%add3A_252, %dma_wait3A_258] : memref<819200x128xf32, #tpu.memory_space<hbm>> -> memref<128x64xf32, #tpu.memory_space<hbm>>
    %dma_wait3A_260 = arith.constant 0 : i32
    %dma_wait3A_261 = tpu.memref_slice %arg4[%add3A_252, %dma_wait3A_260] : memref<819200x128xf32, #tpu.memory_space<hbm>> -> memref<128x64xf32, #tpu.memory_space<hbm>>
    %dma_wait3A_262 = arith.constant 0 : i32
    %dma_wait3A_263 = arith.constant 0 : i32
    %dma_wait3A_264 = tpu.memref_slice %arg6[%dma_wait3A_253, %dma_wait3A_262, %dma_wait3A_263] : memref<5x128x128xf32, #tpu.memory_space<vmem>> -> memref<1x128x64xf32, #tpu.memory_space<vmem>>
    %dma_wait3A_265 = tpu.memref_squeeze %dma_wait3A_264 : memref<1x128x64xf32, #tpu.memory_space<vmem>> -> memref<128x64xf32, #tpu.memory_space<vmem>>
    tpu.wait_dma2 semaphore(%arg8 : memref<!tpu.dma_semaphore, #tpu.memory_space<semaphore_mem>>) src(%dma_wait3A_265 : memref<128x64xf32, #tpu.memory_space<vmem>>) dst(%dma_wait3A_261 : memref<128x64xf32, #tpu.memory_space<hbm>>)
    %dma_start3A_266 = arith.constant 3 : i32
    %dma_start3A_267 = arith.constant 0 : i32
    %dma_start3A_268 = arith.constant 0 : i32
    %dma_start3A_269 = tpu.memref_slice %arg6[%dma_start3A_266, %dma_start3A_267, %dma_start3A_268] : memref<5x128x128xf32, #tpu.memory_space<vmem>> -> memref<1x128x128xf32, #tpu.memory_space<vmem>>
    %dma_start3A_270 = tpu.memref_squeeze %dma_start3A_269 : memref<1x128x128xf32, #tpu.memory_space<vmem>> -> memref<128x128xf32, #tpu.memory_space<vmem>>
    %dma_start3A_271 = arith.constant 1024 : i32
    %dma_start3A_272 = tpu.memref_slice %arg5[%dma_start3A_271] : memref<25600xi32, #tpu.memory_space<vmem>> -> memref<128xi32, #tpu.memory_space<vmem>>
    %dma_start3A_273 = arith.constant 0 : i32
    %dma_start3A_274 = arith.constant 0 : i32
    %dma_start3A_275 = tpu.memref_slice %arg2[%dma_start3A_273, %dma_start3A_274] : memref<1000000x128xf32, #tpu.memory_space<hbm>> -> memref<1000000x128xf32, #tpu.memory_space<hbm>>
    tpu.enqueue_indirect_dma source(%dma_start3A_275 : memref<1000000x128xf32, #tpu.memory_space<hbm>>) target(%dma_start3A_270 : memref<128x128xf32, #tpu.memory_space<vmem>>) offsets(%dma_start3A_272 : memref<128xi32, #tpu.memory_space<vmem>>) semaphore(%arg7 : memref<!tpu.dma_semaphore, #tpu.memory_space<semaphore_mem>>)
    %scan3A = arith.constant 0 : i32
    %scan3A_276 = arith.constant 1 : i32
    %scan3A_277 = arith.constant 38 : i32
    %scan3A_278 = arith.addi %scan3A_276, %scan3A_277 : i32
    %scan3A_279 = arith.constant 1 : i32
    scf.for %scan3A_506 = %scan3A_276 to %scan3A_278 step %scan3A_279  : i32 {
      %mul3A_507 = arith.constant 5 : i32
      %mul3A_508 = arith.muli %scan3A_506, %mul3A_507 : i32
      %add3A_509 = arith.constant 0 : i32
      %add3A_510 = arith.addi %mul3A_508, %add3A_509 : i32
      %mul3A_511 = arith.constant 128 : i32
      %mul3A_512 = arith.muli %add3A_510, %mul3A_511 : i32
      %dma_wait3A_513 = arith.constant 0 : i32
      %dma_wait3A_514 = arith.constant 0 : i32
      %dma_wait3A_515 = arith.constant 0 : i32
      %dma_wait3A_516 = tpu.memref_slice %arg6[%dma_wait3A_513, %dma_wait3A_514, %dma_wait3A_515] : memref<5x128x128xf32, #tpu.memory_space<vmem>> -> memref<1x128x128xf32, #tpu.memory_space<vmem>>
      %dma_wait3A_517 = tpu.memref_squeeze %dma_wait3A_516 : memref<1x128x128xf32, #tpu.memory_space<vmem>> -> memref<128x128xf32, #tpu.memory_space<vmem>>
      %dma_wait3A_518 = tpu.memref_slice %arg5[%mul3A_512] : memref<25600xi32, #tpu.memory_space<vmem>> -> memref<128xi32, #tpu.memory_space<vmem>>
      %dma_wait3A_519 = arith.constant 0 : i32
      %dma_wait3A_520 = arith.constant 0 : i32
      %dma_wait3A_521 = tpu.memref_slice %arg2[%dma_wait3A_519, %dma_wait3A_520] : memref<1000000x128xf32, #tpu.memory_space<hbm>> -> memref<1000000x128xf32, #tpu.memory_space<hbm>>
      tpu.wait_indirect_dma semaphore(%arg7 : memref<!tpu.dma_semaphore, #tpu.memory_space<semaphore_mem>>) src(%dma_wait3A_521 : memref<1000000x128xf32, #tpu.memory_space<hbm>>) dst(%dma_wait3A_517 : memref<128x128xf32, #tpu.memory_space<vmem>>)
      %mul3A_522 = arith.constant 128 : i32
      %mul3A_523 = arith.muli %add3A_510, %mul3A_522 : i32
      %add3A_524 = arith.addi %mul3A_2, %mul3A_523 : i32
      %dma_start3A_525 = arith.constant 0 : i32
      %dma_start3A_526 = arith.constant 0 : i32
      %dma_start3A_527 = arith.constant 0 : i32
      %dma_start3A_528 = tpu.memref_slice %arg6[%dma_start3A_525, %dma_start3A_526, %dma_start3A_527] : memref<5x128x128xf32, #tpu.memory_space<vmem>> -> memref<1x128x64xf32, #tpu.memory_space<vmem>>
      %dma_start3A_529 = tpu.memref_squeeze %dma_start3A_528 : memref<1x128x64xf32, #tpu.memory_space<vmem>> -> memref<128x64xf32, #tpu.memory_space<vmem>>
      %dma_start3A_530 = arith.constant 0 : i32
      %dma_start3A_531 = tpu.memref_slice %arg4[%add3A_524, %dma_start3A_530] : memref<819200x128xf32, #tpu.memory_space<hbm>> -> memref<128x64xf32, #tpu.memory_space<hbm>>
      %dma_start3A_532 = arith.constant 0 : i32
      %dma_start3A_533 = tpu.memref_slice %arg4[%add3A_524, %dma_start3A_532] : memref<819200x128xf32, #tpu.memory_space<hbm>> -> memref<128x64xf32, #tpu.memory_space<hbm>>
      %dma_start3A_534 = arith.constant 0 : i32
      %dma_start3A_535 = arith.constant 0 : i32
      %dma_start3A_536 = tpu.memref_slice %arg6[%dma_start3A_525, %dma_start3A_534, %dma_start3A_535] : memref<5x128x128xf32, #tpu.memory_space<vmem>> -> memref<1x128x64xf32, #tpu.memory_space<vmem>>
      %dma_start3A_537 = tpu.memref_squeeze %dma_start3A_536 : memref<1x128x64xf32, #tpu.memory_space<vmem>> -> memref<128x64xf32, #tpu.memory_space<vmem>>
      tpu.enqueue_dma source(%dma_start3A_537 : memref<128x64xf32, #tpu.memory_space<vmem>>) target(%dma_start3A_533 : memref<128x64xf32, #tpu.memory_space<hbm>>) target_semaphore(%arg8 : memref<!tpu.dma_semaphore, #tpu.memory_space<semaphore_mem>>)
      %sub3A = arith.constant 1 : i32
      %sub3A_538 = arith.subi %add3A_510, %sub3A : i32
      %mul3A_539 = arith.constant 128 : i32
      %mul3A_540 = arith.muli %sub3A_538, %mul3A_539 : i32
      %add3A_541 = arith.addi %mul3A_2, %mul3A_540 : i32
      %dma_wait3A_542 = arith.constant 4 : i32
      %dma_wait3A_543 = arith.constant 0 : i32
      %dma_wait3A_544 = arith.constant 0 : i32
      %dma_wait3A_545 = tpu.memref_slice %arg6[%dma_wait3A_542, %dma_wait3A_543, %dma_wait3A_544] : memref<5x128x128xf32, #tpu.memory_space<vmem>> -> memref<1x128x64xf32, #tpu.memory_space<vmem>>
      %dma_wait3A_546 = tpu.memref_squeeze %dma_wait3A_545 : memref<1x128x64xf32, #tpu.memory_space<vmem>> -> memref<128x64xf32, #tpu.memory_space<vmem>>
      %dma_wait3A_547 = arith.constant 0 : i32
      %dma_wait3A_548 = tpu.memref_slice %arg4[%add3A_541, %dma_wait3A_547] : memref<819200x128xf32, #tpu.memory_space<hbm>> -> memref<128x64xf32, #tpu.memory_space<hbm>>
      %dma_wait3A_549 = arith.constant 0 : i32
      %dma_wait3A_550 = tpu.memref_slice %arg4[%add3A_541, %dma_wait3A_549] : memref<819200x128xf32, #tpu.memory_space<hbm>> -> memref<128x64xf32, #tpu.memory_space<hbm>>
      %dma_wait3A_551 = arith.constant 0 : i32
      %dma_wait3A_552 = arith.constant 0 : i32
      %dma_wait3A_553 = tpu.memref_slice %arg6[%dma_wait3A_542, %dma_wait3A_551, %dma_wait3A_552] : memref<5x128x128xf32, #tpu.memory_space<vmem>> -> memref<1x128x64xf32, #tpu.memory_space<vmem>>
      %dma_wait3A_554 = tpu.memref_squeeze %dma_wait3A_553 : memref<1x128x64xf32, #tpu.memory_space<vmem>> -> memref<128x64xf32, #tpu.memory_space<vmem>>
      tpu.wait_dma2 semaphore(%arg8 : memref<!tpu.dma_semaphore, #tpu.memory_space<semaphore_mem>>) src(%dma_wait3A_554 : memref<128x64xf32, #tpu.memory_space<vmem>>) dst(%dma_wait3A_550 : memref<128x64xf32, #tpu.memory_space<hbm>>)
      %add3A_555 = arith.constant 5 : i32
      %add3A_556 = arith.addi %add3A_510, %add3A_555 : i32
      %sub3A_557 = arith.constant 1 : i32
      %sub3A_558 = arith.subi %add3A_556, %sub3A_557 : i32
      %mul3A_559 = arith.constant 128 : i32
      %mul3A_560 = arith.muli %sub3A_558, %mul3A_559 : i32
      %dma_start3A_561 = arith.constant 4 : i32
      %dma_start3A_562 = arith.constant 0 : i32
      %dma_start3A_563 = arith.constant 0 : i32
      %dma_start3A_564 = tpu.memref_slice %arg6[%dma_start3A_561, %dma_start3A_562, %dma_start3A_563] : memref<5x128x128xf32, #tpu.memory_space<vmem>> -> memref<1x128x128xf32, #tpu.memory_space<vmem>>
      %dma_start3A_565 = tpu.memref_squeeze %dma_start3A_564 : memref<1x128x128xf32, #tpu.memory_space<vmem>> -> memref<128x128xf32, #tpu.memory_space<vmem>>
      %dma_start3A_566 = tpu.memref_slice %arg5[%mul3A_560] : memref<25600xi32, #tpu.memory_space<vmem>> -> memref<128xi32, #tpu.memory_space<vmem>>
      %dma_start3A_567 = arith.constant 0 : i32
      %dma_start3A_568 = arith.constant 0 : i32
      %dma_start3A_569 = tpu.memref_slice %arg2[%dma_start3A_567, %dma_start3A_568] : memref<1000000x128xf32, #tpu.memory_space<hbm>> -> memref<1000000x128xf32, #tpu.memory_space<hbm>>
      tpu.enqueue_indirect_dma source(%dma_start3A_569 : memref<1000000x128xf32, #tpu.memory_space<hbm>>) target(%dma_start3A_565 : memref<128x128xf32, #tpu.memory_space<vmem>>) offsets(%dma_start3A_566 : memref<128xi32, #tpu.memory_space<vmem>>) semaphore(%arg7 : memref<!tpu.dma_semaphore, #tpu.memory_space<semaphore_mem>>)
      %add3A_570 = arith.constant 1 : i32
      %add3A_571 = arith.addi %mul3A_508, %add3A_570 : i32
      %mul3A_572 = arith.constant 128 : i32
      %mul3A_573 = arith.muli %add3A_571, %mul3A_572 : i32
      %dma_wait3A_574 = arith.constant 1 : i32
      %dma_wait3A_575 = arith.constant 0 : i32
      %dma_wait3A_576 = arith.constant 0 : i32
      %dma_wait3A_577 = tpu.memref_slice %arg6[%dma_wait3A_574, %dma_wait3A_575, %dma_wait3A_576] : memref<5x128x128xf32, #tpu.memory_space<vmem>> -> memref<1x128x128xf32, #tpu.memory_space<vmem>>
      %dma_wait3A_578 = tpu.memref_squeeze %dma_wait3A_577 : memref<1x128x128xf32, #tpu.memory_space<vmem>> -> memref<128x128xf32, #tpu.memory_space<vmem>>
      %dma_wait3A_579 = tpu.memref_slice %arg5[%mul3A_573] : memref<25600xi32, #tpu.memory_space<vmem>> -> memref<128xi32, #tpu.memory_space<vmem>>
      %dma_wait3A_580 = arith.constant 0 : i32
      %dma_wait3A_581 = arith.constant 0 : i32
      %dma_wait3A_582 = tpu.memref_slice %arg2[%dma_wait3A_580, %dma_wait3A_581] : memref<1000000x128xf32, #tpu.memory_space<hbm>> -> memref<1000000x128xf32, #tpu.memory_space<hbm>>
      tpu.wait_indirect_dma semaphore(%arg7 : memref<!tpu.dma_semaphore, #tpu.memory_space<semaphore_mem>>) src(%dma_wait3A_582 : memref<1000000x128xf32, #tpu.memory_space<hbm>>) dst(%dma_wait3A_578 : memref<128x128xf32, #tpu.memory_space<vmem>>)
      %mul3A_583 = arith.constant 128 : i32
      %mul3A_584 = arith.muli %add3A_571, %mul3A_583 : i32
      %add3A_585 = arith.addi %mul3A_2, %mul3A_584 : i32
      %dma_start3A_586 = arith.constant 1 : i32
      %dma_start3A_587 = arith.constant 0 : i32
      %dma_start3A_588 = arith.constant 0 : i32
      %dma_start3A_589 = tpu.memref_slice %arg6[%dma_start3A_586, %dma_start3A_587, %dma_start3A_588] : memref<5x128x128xf32, #tpu.memory_space<vmem>> -> memref<1x128x64xf32, #tpu.memory_space<vmem>>
      %dma_start3A_590 = tpu.memref_squeeze %dma_start3A_589 : memref<1x128x64xf32, #tpu.memory_space<vmem>> -> memref<128x64xf32, #tpu.memory_space<vmem>>
      %dma_start3A_591 = arith.constant 0 : i32
      %dma_start3A_592 = tpu.memref_slice %arg4[%add3A_585, %dma_start3A_591] : memref<819200x128xf32, #tpu.memory_space<hbm>> -> memref<128x64xf32, #tpu.memory_space<hbm>>
      %dma_start3A_593 = arith.constant 0 : i32
      %dma_start3A_594 = tpu.memref_slice %arg4[%add3A_585, %dma_start3A_593] : memref<819200x128xf32, #tpu.memory_space<hbm>> -> memref<128x64xf32, #tpu.memory_space<hbm>>
      %dma_start3A_595 = arith.constant 0 : i32
      %dma_start3A_596 = arith.constant 0 : i32
      %dma_start3A_597 = tpu.memref_slice %arg6[%dma_start3A_586, %dma_start3A_595, %dma_start3A_596] : memref<5x128x128xf32, #tpu.memory_space<vmem>> -> memref<1x128x64xf32, #tpu.memory_space<vmem>>
      %dma_start3A_598 = tpu.memref_squeeze %dma_start3A_597 : memref<1x128x64xf32, #tpu.memory_space<vmem>> -> memref<128x64xf32, #tpu.memory_space<vmem>>
      tpu.enqueue_dma source(%dma_start3A_598 : memref<128x64xf32, #tpu.memory_space<vmem>>) target(%dma_start3A_594 : memref<128x64xf32, #tpu.memory_space<hbm>>) target_semaphore(%arg8 : memref<!tpu.dma_semaphore, #tpu.memory_space<semaphore_mem>>)
      %sub3A_599 = arith.constant 1 : i32
      %sub3A_600 = arith.subi %add3A_571, %sub3A_599 : i32
      %mul3A_601 = arith.constant 128 : i32
      %mul3A_602 = arith.muli %sub3A_600, %mul3A_601 : i32
      %add3A_603 = arith.addi %mul3A_2, %mul3A_602 : i32
      %dma_wait3A_604 = arith.constant 0 : i32
      %dma_wait3A_605 = arith.constant 0 : i32
      %dma_wait3A_606 = arith.constant 0 : i32
      %dma_wait3A_607 = tpu.memref_slice %arg6[%dma_wait3A_604, %dma_wait3A_605, %dma_wait3A_606] : memref<5x128x128xf32, #tpu.memory_space<vmem>> -> memref<1x128x64xf32, #tpu.memory_space<vmem>>
      %dma_wait3A_608 = tpu.memref_squeeze %dma_wait3A_607 : memref<1x128x64xf32, #tpu.memory_space<vmem>> -> memref<128x64xf32, #tpu.memory_space<vmem>>
      %dma_wait3A_609 = arith.constant 0 : i32
      %dma_wait3A_610 = tpu.memref_slice %arg4[%add3A_603, %dma_wait3A_609] : memref<819200x128xf32, #tpu.memory_space<hbm>> -> memref<128x64xf32, #tpu.memory_space<hbm>>
      %dma_wait3A_611 = arith.constant 0 : i32
      %dma_wait3A_612 = tpu.memref_slice %arg4[%add3A_603, %dma_wait3A_611] : memref<819200x128xf32, #tpu.memory_space<hbm>> -> memref<128x64xf32, #tpu.memory_space<hbm>>
      %dma_wait3A_613 = arith.constant 0 : i32
      %dma_wait3A_614 = arith.constant 0 : i32
      %dma_wait3A_615 = tpu.memref_slice %arg6[%dma_wait3A_604, %dma_wait3A_613, %dma_wait3A_614] : memref<5x128x128xf32, #tpu.memory_space<vmem>> -> memref<1x128x64xf32, #tpu.memory_space<vmem>>
      %dma_wait3A_616 = tpu.memref_squeeze %dma_wait3A_615 : memref<1x128x64xf32, #tpu.memory_space<vmem>> -> memref<128x64xf32, #tpu.memory_space<vmem>>
      tpu.wait_dma2 semaphore(%arg8 : memref<!tpu.dma_semaphore, #tpu.memory_space<semaphore_mem>>) src(%dma_wait3A_616 : memref<128x64xf32, #tpu.memory_space<vmem>>) dst(%dma_wait3A_612 : memref<128x64xf32, #tpu.memory_space<hbm>>)
      %add3A_617 = arith.constant 5 : i32
      %add3A_618 = arith.addi %add3A_571, %add3A_617 : i32
      %sub3A_619 = arith.constant 1 : i32
      %sub3A_620 = arith.subi %add3A_618, %sub3A_619 : i32
      %mul3A_621 = arith.constant 128 : i32
      %mul3A_622 = arith.muli %sub3A_620, %mul3A_621 : i32
      %dma_start3A_623 = arith.constant 0 : i32
      %dma_start3A_624 = arith.constant 0 : i32
      %dma_start3A_625 = arith.constant 0 : i32
      %dma_start3A_626 = tpu.memref_slice %arg6[%dma_start3A_623, %dma_start3A_624, %dma_start3A_625] : memref<5x128x128xf32, #tpu.memory_space<vmem>> -> memref<1x128x128xf32, #tpu.memory_space<vmem>>
      %dma_start3A_627 = tpu.memref_squeeze %dma_start3A_626 : memref<1x128x128xf32, #tpu.memory_space<vmem>> -> memref<128x128xf32, #tpu.memory_space<vmem>>
      %dma_start3A_628 = tpu.memref_slice %arg5[%mul3A_622] : memref<25600xi32, #tpu.memory_space<vmem>> -> memref<128xi32, #tpu.memory_space<vmem>>
      %dma_start3A_629 = arith.constant 0 : i32
      %dma_start3A_630 = arith.constant 0 : i32
      %dma_start3A_631 = tpu.memref_slice %arg2[%dma_start3A_629, %dma_start3A_630] : memref<1000000x128xf32, #tpu.memory_space<hbm>> -> memref<1000000x128xf32, #tpu.memory_space<hbm>>
      tpu.enqueue_indirect_dma source(%dma_start3A_631 : memref<1000000x128xf32, #tpu.memory_space<hbm>>) target(%dma_start3A_627 : memref<128x128xf32, #tpu.memory_space<vmem>>) offsets(%dma_start3A_628 : memref<128xi32, #tpu.memory_space<vmem>>) semaphore(%arg7 : memref<!tpu.dma_semaphore, #tpu.memory_space<semaphore_mem>>)
      %add3A_632 = arith.constant 2 : i32
      %add3A_633 = arith.addi %mul3A_508, %add3A_632 : i32
      %mul3A_634 = arith.constant 128 : i32
      %mul3A_635 = arith.muli %add3A_633, %mul3A_634 : i32
      %dma_wait3A_636 = arith.constant 2 : i32
      %dma_wait3A_637 = arith.constant 0 : i32
      %dma_wait3A_638 = arith.constant 0 : i32
      %dma_wait3A_639 = tpu.memref_slice %arg6[%dma_wait3A_636, %dma_wait3A_637, %dma_wait3A_638] : memref<5x128x128xf32, #tpu.memory_space<vmem>> -> memref<1x128x128xf32, #tpu.memory_space<vmem>>
      %dma_wait3A_640 = tpu.memref_squeeze %dma_wait3A_639 : memref<1x128x128xf32, #tpu.memory_space<vmem>> -> memref<128x128xf32, #tpu.memory_space<vmem>>
      %dma_wait3A_641 = tpu.memref_slice %arg5[%mul3A_635] : memref<25600xi32, #tpu.memory_space<vmem>> -> memref<128xi32, #tpu.memory_space<vmem>>
      %dma_wait3A_642 = arith.constant 0 : i32
      %dma_wait3A_643 = arith.constant 0 : i32
      %dma_wait3A_644 = tpu.memref_slice %arg2[%dma_wait3A_642, %dma_wait3A_643] : memref<1000000x128xf32, #tpu.memory_space<hbm>> -> memref<1000000x128xf32, #tpu.memory_space<hbm>>
      tpu.wait_indirect_dma semaphore(%arg7 : memref<!tpu.dma_semaphore, #tpu.memory_space<semaphore_mem>>) src(%dma_wait3A_644 : memref<1000000x128xf32, #tpu.memory_space<hbm>>) dst(%dma_wait3A_640 : memref<128x128xf32, #tpu.memory_space<vmem>>)
      %mul3A_645 = arith.constant 128 : i32
      %mul3A_646 = arith.muli %add3A_633, %mul3A_645 : i32
      %add3A_647 = arith.addi %mul3A_2, %mul3A_646 : i32
      %dma_start3A_648 = arith.constant 2 : i32
      %dma_start3A_649 = arith.constant 0 : i32
      %dma_start3A_650 = arith.constant 0 : i32
      %dma_start3A_651 = tpu.memref_slice %arg6[%dma_start3A_648, %dma_start3A_649, %dma_start3A_650] : memref<5x128x128xf32, #tpu.memory_space<vmem>> -> memref<1x128x64xf32, #tpu.memory_space<vmem>>
      %dma_start3A_652 = tpu.memref_squeeze %dma_start3A_651 : memref<1x128x64xf32, #tpu.memory_space<vmem>> -> memref<128x64xf32, #tpu.memory_space<vmem>>
      %dma_start3A_653 = arith.constant 0 : i32
      %dma_start3A_654 = tpu.memref_slice %arg4[%add3A_647, %dma_start3A_653] : memref<819200x128xf32, #tpu.memory_space<hbm>> -> memref<128x64xf32, #tpu.memory_space<hbm>>
      %dma_start3A_655 = arith.constant 0 : i32
      %dma_start3A_656 = tpu.memref_slice %arg4[%add3A_647, %dma_start3A_655] : memref<819200x128xf32, #tpu.memory_space<hbm>> -> memref<128x64xf32, #tpu.memory_space<hbm>>
      %dma_start3A_657 = arith.constant 0 : i32
      %dma_start3A_658 = arith.constant 0 : i32
      %dma_start3A_659 = tpu.memref_slice %arg6[%dma_start3A_648, %dma_start3A_657, %dma_start3A_658] : memref<5x128x128xf32, #tpu.memory_space<vmem>> -> memref<1x128x64xf32, #tpu.memory_space<vmem>>
      %dma_start3A_660 = tpu.memref_squeeze %dma_start3A_659 : memref<1x128x64xf32, #tpu.memory_space<vmem>> -> memref<128x64xf32, #tpu.memory_space<vmem>>
      tpu.enqueue_dma source(%dma_start3A_660 : memref<128x64xf32, #tpu.memory_space<vmem>>) target(%dma_start3A_656 : memref<128x64xf32, #tpu.memory_space<hbm>>) target_semaphore(%arg8 : memref<!tpu.dma_semaphore, #tpu.memory_space<semaphore_mem>>)
      %sub3A_661 = arith.constant 1 : i32
      %sub3A_662 = arith.subi %add3A_633, %sub3A_661 : i32
      %mul3A_663 = arith.constant 128 : i32
      %mul3A_664 = arith.muli %sub3A_662, %mul3A_663 : i32
      %add3A_665 = arith.addi %mul3A_2, %mul3A_664 : i32
      %dma_wait3A_666 = arith.constant 1 : i32
      %dma_wait3A_667 = arith.constant 0 : i32
      %dma_wait3A_668 = arith.constant 0 : i32
      %dma_wait3A_669 = tpu.memref_slice %arg6[%dma_wait3A_666, %dma_wait3A_667, %dma_wait3A_668] : memref<5x128x128xf32, #tpu.memory_space<vmem>> -> memref<1x128x64xf32, #tpu.memory_space<vmem>>
      %dma_wait3A_670 = tpu.memref_squeeze %dma_wait3A_669 : memref<1x128x64xf32, #tpu.memory_space<vmem>> -> memref<128x64xf32, #tpu.memory_space<vmem>>
      %dma_wait3A_671 = arith.constant 0 : i32
      %dma_wait3A_672 = tpu.memref_slice %arg4[%add3A_665, %dma_wait3A_671] : memref<819200x128xf32, #tpu.memory_space<hbm>> -> memref<128x64xf32, #tpu.memory_space<hbm>>
      %dma_wait3A_673 = arith.constant 0 : i32
      %dma_wait3A_674 = tpu.memref_slice %arg4[%add3A_665, %dma_wait3A_673] : memref<819200x128xf32, #tpu.memory_space<hbm>> -> memref<128x64xf32, #tpu.memory_space<hbm>>
      %dma_wait3A_675 = arith.constant 0 : i32
      %dma_wait3A_676 = arith.constant 0 : i32
      %dma_wait3A_677 = tpu.memref_slice %arg6[%dma_wait3A_666, %dma_wait3A_675, %dma_wait3A_676] : memref<5x128x128xf32, #tpu.memory_space<vmem>> -> memref<1x128x64xf32, #tpu.memory_space<vmem>>
      %dma_wait3A_678 = tpu.memref_squeeze %dma_wait3A_677 : memref<1x128x64xf32, #tpu.memory_space<vmem>> -> memref<128x64xf32, #tpu.memory_space<vmem>>
      tpu.wait_dma2 semaphore(%arg8 : memref<!tpu.dma_semaphore, #tpu.memory_space<semaphore_mem>>) src(%dma_wait3A_678 : memref<128x64xf32, #tpu.memory_space<vmem>>) dst(%dma_wait3A_674 : memref<128x64xf32, #tpu.memory_space<hbm>>)
      %add3A_679 = arith.constant 5 : i32
      %add3A_680 = arith.addi %add3A_633, %add3A_679 : i32
      %sub3A_681 = arith.constant 1 : i32
      %sub3A_682 = arith.subi %add3A_680, %sub3A_681 : i32
      %mul3A_683 = arith.constant 128 : i32
      %mul3A_684 = arith.muli %sub3A_682, %mul3A_683 : i32
      %dma_start3A_685 = arith.constant 1 : i32
      %dma_start3A_686 = arith.constant 0 : i32
      %dma_start3A_687 = arith.constant 0 : i32
      %dma_start3A_688 = tpu.memref_slice %arg6[%dma_start3A_685, %dma_start3A_686, %dma_start3A_687] : memref<5x128x128xf32, #tpu.memory_space<vmem>> -> memref<1x128x128xf32, #tpu.memory_space<vmem>>
      %dma_start3A_689 = tpu.memref_squeeze %dma_start3A_688 : memref<1x128x128xf32, #tpu.memory_space<vmem>> -> memref<128x128xf32, #tpu.memory_space<vmem>>
      %dma_start3A_690 = tpu.memref_slice %arg5[%mul3A_684] : memref<25600xi32, #tpu.memory_space<vmem>> -> memref<128xi32, #tpu.memory_space<vmem>>
      %dma_start3A_691 = arith.constant 0 : i32
      %dma_start3A_692 = arith.constant 0 : i32
      %dma_start3A_693 = tpu.memref_slice %arg2[%dma_start3A_691, %dma_start3A_692] : memref<1000000x128xf32, #tpu.memory_space<hbm>> -> memref<1000000x128xf32, #tpu.memory_space<hbm>>
      tpu.enqueue_indirect_dma source(%dma_start3A_693 : memref<1000000x128xf32, #tpu.memory_space<hbm>>) target(%dma_start3A_689 : memref<128x128xf32, #tpu.memory_space<vmem>>) offsets(%dma_start3A_690 : memref<128xi32, #tpu.memory_space<vmem>>) semaphore(%arg7 : memref<!tpu.dma_semaphore, #tpu.memory_space<semaphore_mem>>)
      %add3A_694 = arith.constant 3 : i32
      %add3A_695 = arith.addi %mul3A_508, %add3A_694 : i32
      %mul3A_696 = arith.constant 128 : i32
      %mul3A_697 = arith.muli %add3A_695, %mul3A_696 : i32
      %dma_wait3A_698 = arith.constant 3 : i32
      %dma_wait3A_699 = arith.constant 0 : i32
      %dma_wait3A_700 = arith.constant 0 : i32
      %dma_wait3A_701 = tpu.memref_slice %arg6[%dma_wait3A_698, %dma_wait3A_699, %dma_wait3A_700] : memref<5x128x128xf32, #tpu.memory_space<vmem>> -> memref<1x128x128xf32, #tpu.memory_space<vmem>>
      %dma_wait3A_702 = tpu.memref_squeeze %dma_wait3A_701 : memref<1x128x128xf32, #tpu.memory_space<vmem>> -> memref<128x128xf32, #tpu.memory_space<vmem>>
      %dma_wait3A_703 = tpu.memref_slice %arg5[%mul3A_697] : memref<25600xi32, #tpu.memory_space<vmem>> -> memref<128xi32, #tpu.memory_space<vmem>>
      %dma_wait3A_704 = arith.constant 0 : i32
      %dma_wait3A_705 = arith.constant 0 : i32
      %dma_wait3A_706 = tpu.memref_slice %arg2[%dma_wait3A_704, %dma_wait3A_705] : memref<1000000x128xf32, #tpu.memory_space<hbm>> -> memref<1000000x128xf32, #tpu.memory_space<hbm>>
      tpu.wait_indirect_dma semaphore(%arg7 : memref<!tpu.dma_semaphore, #tpu.memory_space<semaphore_mem>>) src(%dma_wait3A_706 : memref<1000000x128xf32, #tpu.memory_space<hbm>>) dst(%dma_wait3A_702 : memref<128x128xf32, #tpu.memory_space<vmem>>)
      %mul3A_707 = arith.constant 128 : i32
      %mul3A_708 = arith.muli %add3A_695, %mul3A_707 : i32
      %add3A_709 = arith.addi %mul3A_2, %mul3A_708 : i32
      %dma_start3A_710 = arith.constant 3 : i32
      %dma_start3A_711 = arith.constant 0 : i32
      %dma_start3A_712 = arith.constant 0 : i32
      %dma_start3A_713 = tpu.memref_slice %arg6[%dma_start3A_710, %dma_start3A_711, %dma_start3A_712] : memref<5x128x128xf32, #tpu.memory_space<vmem>> -> memref<1x128x64xf32, #tpu.memory_space<vmem>>
      %dma_start3A_714 = tpu.memref_squeeze %dma_start3A_713 : memref<1x128x64xf32, #tpu.memory_space<vmem>> -> memref<128x64xf32, #tpu.memory_space<vmem>>
      %dma_start3A_715 = arith.constant 0 : i32
      %dma_start3A_716 = tpu.memref_slice %arg4[%add3A_709, %dma_start3A_715] : memref<819200x128xf32, #tpu.memory_space<hbm>> -> memref<128x64xf32, #tpu.memory_space<hbm>>
      %dma_start3A_717 = arith.constant 0 : i32
      %dma_start3A_718 = tpu.memref_slice %arg4[%add3A_709, %dma_start3A_717] : memref<819200x128xf32, #tpu.memory_space<hbm>> -> memref<128x64xf32, #tpu.memory_space<hbm>>
      %dma_start3A_719 = arith.constant 0 : i32
      %dma_start3A_720 = arith.constant 0 : i32
      %dma_start3A_721 = tpu.memref_slice %arg6[%dma_start3A_710, %dma_start3A_719, %dma_start3A_720] : memref<5x128x128xf32, #tpu.memory_space<vmem>> -> memref<1x128x64xf32, #tpu.memory_space<vmem>>
      %dma_start3A_722 = tpu.memref_squeeze %dma_start3A_721 : memref<1x128x64xf32, #tpu.memory_space<vmem>> -> memref<128x64xf32, #tpu.memory_space<vmem>>
      tpu.enqueue_dma source(%dma_start3A_722 : memref<128x64xf32, #tpu.memory_space<vmem>>) target(%dma_start3A_718 : memref<128x64xf32, #tpu.memory_space<hbm>>) target_semaphore(%arg8 : memref<!tpu.dma_semaphore, #tpu.memory_space<semaphore_mem>>)
      %sub3A_723 = arith.constant 1 : i32
      %sub3A_724 = arith.subi %add3A_695, %sub3A_723 : i32
      %mul3A_725 = arith.constant 128 : i32
      %mul3A_726 = arith.muli %sub3A_724, %mul3A_725 : i32
      %add3A_727 = arith.addi %mul3A_2, %mul3A_726 : i32
      %dma_wait3A_728 = arith.constant 2 : i32
      %dma_wait3A_729 = arith.constant 0 : i32
      %dma_wait3A_730 = arith.constant 0 : i32
      %dma_wait3A_731 = tpu.memref_slice %arg6[%dma_wait3A_728, %dma_wait3A_729, %dma_wait3A_730] : memref<5x128x128xf32, #tpu.memory_space<vmem>> -> memref<1x128x64xf32, #tpu.memory_space<vmem>>
      %dma_wait3A_732 = tpu.memref_squeeze %dma_wait3A_731 : memref<1x128x64xf32, #tpu.memory_space<vmem>> -> memref<128x64xf32, #tpu.memory_space<vmem>>
      %dma_wait3A_733 = arith.constant 0 : i32
      %dma_wait3A_734 = tpu.memref_slice %arg4[%add3A_727, %dma_wait3A_733] : memref<819200x128xf32, #tpu.memory_space<hbm>> -> memref<128x64xf32, #tpu.memory_space<hbm>>
      %dma_wait3A_735 = arith.constant 0 : i32
      %dma_wait3A_736 = tpu.memref_slice %arg4[%add3A_727, %dma_wait3A_735] : memref<819200x128xf32, #tpu.memory_space<hbm>> -> memref<128x64xf32, #tpu.memory_space<hbm>>
      %dma_wait3A_737 = arith.constant 0 : i32
      %dma_wait3A_738 = arith.constant 0 : i32
      %dma_wait3A_739 = tpu.memref_slice %arg6[%dma_wait3A_728, %dma_wait3A_737, %dma_wait3A_738] : memref<5x128x128xf32, #tpu.memory_space<vmem>> -> memref<1x128x64xf32, #tpu.memory_space<vmem>>
      %dma_wait3A_740 = tpu.memref_squeeze %dma_wait3A_739 : memref<1x128x64xf32, #tpu.memory_space<vmem>> -> memref<128x64xf32, #tpu.memory_space<vmem>>
      tpu.wait_dma2 semaphore(%arg8 : memref<!tpu.dma_semaphore, #tpu.memory_space<semaphore_mem>>) src(%dma_wait3A_740 : memref<128x64xf32, #tpu.memory_space<vmem>>) dst(%dma_wait3A_736 : memref<128x64xf32, #tpu.memory_space<hbm>>)
      %add3A_741 = arith.constant 5 : i32
      %add3A_742 = arith.addi %add3A_695, %add3A_741 : i32
      %sub3A_743 = arith.constant 1 : i32
      %sub3A_744 = arith.subi %add3A_742, %sub3A_743 : i32
      %mul3A_745 = arith.constant 128 : i32
      %mul3A_746 = arith.muli %sub3A_744, %mul3A_745 : i32
      %dma_start3A_747 = arith.constant 2 : i32
      %dma_start3A_748 = arith.constant 0 : i32
      %dma_start3A_749 = arith.constant 0 : i32
      %dma_start3A_750 = tpu.memref_slice %arg6[%dma_start3A_747, %dma_start3A_748, %dma_start3A_749] : memref<5x128x128xf32, #tpu.memory_space<vmem>> -> memref<1x128x128xf32, #tpu.memory_space<vmem>>
      %dma_start3A_751 = tpu.memref_squeeze %dma_start3A_750 : memref<1x128x128xf32, #tpu.memory_space<vmem>> -> memref<128x128xf32, #tpu.memory_space<vmem>>
      %dma_start3A_752 = tpu.memref_slice %arg5[%mul3A_746] : memref<25600xi32, #tpu.memory_space<vmem>> -> memref<128xi32, #tpu.memory_space<vmem>>
      %dma_start3A_753 = arith.constant 0 : i32
      %dma_start3A_754 = arith.constant 0 : i32
      %dma_start3A_755 = tpu.memref_slice %arg2[%dma_start3A_753, %dma_start3A_754] : memref<1000000x128xf32, #tpu.memory_space<hbm>> -> memref<1000000x128xf32, #tpu.memory_space<hbm>>
      tpu.enqueue_indirect_dma source(%dma_start3A_755 : memref<1000000x128xf32, #tpu.memory_space<hbm>>) target(%dma_start3A_751 : memref<128x128xf32, #tpu.memory_space<vmem>>) offsets(%dma_start3A_752 : memref<128xi32, #tpu.memory_space<vmem>>) semaphore(%arg7 : memref<!tpu.dma_semaphore, #tpu.memory_space<semaphore_mem>>)
      %add3A_756 = arith.constant 4 : i32
      %add3A_757 = arith.addi %mul3A_508, %add3A_756 : i32
      %mul3A_758 = arith.constant 128 : i32
      %mul3A_759 = arith.muli %add3A_757, %mul3A_758 : i32
      %dma_wait3A_760 = arith.constant 4 : i32
      %dma_wait3A_761 = arith.constant 0 : i32
      %dma_wait3A_762 = arith.constant 0 : i32
      %dma_wait3A_763 = tpu.memref_slice %arg6[%dma_wait3A_760, %dma_wait3A_761, %dma_wait3A_762] : memref<5x128x128xf32, #tpu.memory_space<vmem>> -> memref<1x128x128xf32, #tpu.memory_space<vmem>>
      %dma_wait3A_764 = tpu.memref_squeeze %dma_wait3A_763 : memref<1x128x128xf32, #tpu.memory_space<vmem>> -> memref<128x128xf32, #tpu.memory_space<vmem>>
      %dma_wait3A_765 = tpu.memref_slice %arg5[%mul3A_759] : memref<25600xi32, #tpu.memory_space<vmem>> -> memref<128xi32, #tpu.memory_space<vmem>>
      %dma_wait3A_766 = arith.constant 0 : i32
      %dma_wait3A_767 = arith.constant 0 : i32
      %dma_wait3A_768 = tpu.memref_slice %arg2[%dma_wait3A_766, %dma_wait3A_767] : memref<1000000x128xf32, #tpu.memory_space<hbm>> -> memref<1000000x128xf32, #tpu.memory_space<hbm>>
      tpu.wait_indirect_dma semaphore(%arg7 : memref<!tpu.dma_semaphore, #tpu.memory_space<semaphore_mem>>) src(%dma_wait3A_768 : memref<1000000x128xf32, #tpu.memory_space<hbm>>) dst(%dma_wait3A_764 : memref<128x128xf32, #tpu.memory_space<vmem>>)
      %mul3A_769 = arith.constant 128 : i32
      %mul3A_770 = arith.muli %add3A_757, %mul3A_769 : i32
      %add3A_771 = arith.addi %mul3A_2, %mul3A_770 : i32
      %dma_start3A_772 = arith.constant 4 : i32
      %dma_start3A_773 = arith.constant 0 : i32
      %dma_start3A_774 = arith.constant 0 : i32
      %dma_start3A_775 = tpu.memref_slice %arg6[%dma_start3A_772, %dma_start3A_773, %dma_start3A_774] : memref<5x128x128xf32, #tpu.memory_space<vmem>> -> memref<1x128x64xf32, #tpu.memory_space<vmem>>
      %dma_start3A_776 = tpu.memref_squeeze %dma_start3A_775 : memref<1x128x64xf32, #tpu.memory_space<vmem>> -> memref<128x64xf32, #tpu.memory_space<vmem>>
      %dma_start3A_777 = arith.constant 0 : i32
      %dma_start3A_778 = tpu.memref_slice %arg4[%add3A_771, %dma_start3A_777] : memref<819200x128xf32, #tpu.memory_space<hbm>> -> memref<128x64xf32, #tpu.memory_space<hbm>>
      %dma_start3A_779 = arith.constant 0 : i32
      %dma_start3A_780 = tpu.memref_slice %arg4[%add3A_771, %dma_start3A_779] : memref<819200x128xf32, #tpu.memory_space<hbm>> -> memref<128x64xf32, #tpu.memory_space<hbm>>
      %dma_start3A_781 = arith.constant 0 : i32
      %dma_start3A_782 = arith.constant 0 : i32
      %dma_start3A_783 = tpu.memref_slice %arg6[%dma_start3A_772, %dma_start3A_781, %dma_start3A_782] : memref<5x128x128xf32, #tpu.memory_space<vmem>> -> memref<1x128x64xf32, #tpu.memory_space<vmem>>
      %dma_start3A_784 = tpu.memref_squeeze %dma_start3A_783 : memref<1x128x64xf32, #tpu.memory_space<vmem>> -> memref<128x64xf32, #tpu.memory_space<vmem>>
      tpu.enqueue_dma source(%dma_start3A_784 : memref<128x64xf32, #tpu.memory_space<vmem>>) target(%dma_start3A_780 : memref<128x64xf32, #tpu.memory_space<hbm>>) target_semaphore(%arg8 : memref<!tpu.dma_semaphore, #tpu.memory_space<semaphore_mem>>)
      %sub3A_785 = arith.constant 1 : i32
      %sub3A_786 = arith.subi %add3A_757, %sub3A_785 : i32
      %mul3A_787 = arith.constant 128 : i32
      %mul3A_788 = arith.muli %sub3A_786, %mul3A_787 : i32
      %add3A_789 = arith.addi %mul3A_2, %mul3A_788 : i32
      %dma_wait3A_790 = arith.constant 3 : i32
      %dma_wait3A_791 = arith.constant 0 : i32
      %dma_wait3A_792 = arith.constant 0 : i32
      %dma_wait3A_793 = tpu.memref_slice %arg6[%dma_wait3A_790, %dma_wait3A_791, %dma_wait3A_792] : memref<5x128x128xf32, #tpu.memory_space<vmem>> -> memref<1x128x64xf32, #tpu.memory_space<vmem>>
      %dma_wait3A_794 = tpu.memref_squeeze %dma_wait3A_793 : memref<1x128x64xf32, #tpu.memory_space<vmem>> -> memref<128x64xf32, #tpu.memory_space<vmem>>
      %dma_wait3A_795 = arith.constant 0 : i32
      %dma_wait3A_796 = tpu.memref_slice %arg4[%add3A_789, %dma_wait3A_795] : memref<819200x128xf32, #tpu.memory_space<hbm>> -> memref<128x64xf32, #tpu.memory_space<hbm>>
      %dma_wait3A_797 = arith.constant 0 : i32
      %dma_wait3A_798 = tpu.memref_slice %arg4[%add3A_789, %dma_wait3A_797] : memref<819200x128xf32, #tpu.memory_space<hbm>> -> memref<128x64xf32, #tpu.memory_space<hbm>>
      %dma_wait3A_799 = arith.constant 0 : i32
      %dma_wait3A_800 = arith.constant 0 : i32
      %dma_wait3A_801 = tpu.memref_slice %arg6[%dma_wait3A_790, %dma_wait3A_799, %dma_wait3A_800] : memref<5x128x128xf32, #tpu.memory_space<vmem>> -> memref<1x128x64xf32, #tpu.memory_space<vmem>>
      %dma_wait3A_802 = tpu.memref_squeeze %dma_wait3A_801 : memref<1x128x64xf32, #tpu.memory_space<vmem>> -> memref<128x64xf32, #tpu.memory_space<vmem>>
      tpu.wait_dma2 semaphore(%arg8 : memref<!tpu.dma_semaphore, #tpu.memory_space<semaphore_mem>>) src(%dma_wait3A_802 : memref<128x64xf32, #tpu.memory_space<vmem>>) dst(%dma_wait3A_798 : memref<128x64xf32, #tpu.memory_space<hbm>>)
      %add3A_803 = arith.constant 5 : i32
      %add3A_804 = arith.addi %add3A_757, %add3A_803 : i32
      %sub3A_805 = arith.constant 1 : i32
      %sub3A_806 = arith.subi %add3A_804, %sub3A_805 : i32
      %mul3A_807 = arith.constant 128 : i32
      %mul3A_808 = arith.muli %sub3A_806, %mul3A_807 : i32
      %dma_start3A_809 = arith.constant 3 : i32
      %dma_start3A_810 = arith.constant 0 : i32
      %dma_start3A_811 = arith.constant 0 : i32
      %dma_start3A_812 = tpu.memref_slice %arg6[%dma_start3A_809, %dma_start3A_810, %dma_start3A_811] : memref<5x128x128xf32, #tpu.memory_space<vmem>> -> memref<1x128x128xf32, #tpu.memory_space<vmem>>
      %dma_start3A_813 = tpu.memref_squeeze %dma_start3A_812 : memref<1x128x128xf32, #tpu.memory_space<vmem>> -> memref<128x128xf32, #tpu.memory_space<vmem>>
      %dma_start3A_814 = tpu.memref_slice %arg5[%mul3A_808] : memref<25600xi32, #tpu.memory_space<vmem>> -> memref<128xi32, #tpu.memory_space<vmem>>
      %dma_start3A_815 = arith.constant 0 : i32
      %dma_start3A_816 = arith.constant 0 : i32
      %dma_start3A_817 = tpu.memref_slice %arg2[%dma_start3A_815, %dma_start3A_816] : memref<1000000x128xf32, #tpu.memory_space<hbm>> -> memref<1000000x128xf32, #tpu.memory_space<hbm>>
      tpu.enqueue_indirect_dma source(%dma_start3A_817 : memref<1000000x128xf32, #tpu.memory_space<hbm>>) target(%dma_start3A_813 : memref<128x128xf32, #tpu.memory_space<vmem>>) offsets(%dma_start3A_814 : memref<128xi32, #tpu.memory_space<vmem>>) semaphore(%arg7 : memref<!tpu.dma_semaphore, #tpu.memory_space<semaphore_mem>>)
    }
    %scan3A_280 = arith.constant 38 : i32
    %dma_wait3A_281 = arith.constant 0 : i32
    %dma_wait3A_282 = arith.constant 0 : i32
    %dma_wait3A_283 = arith.constant 0 : i32
    %dma_wait3A_284 = tpu.memref_slice %arg6[%dma_wait3A_281, %dma_wait3A_282, %dma_wait3A_283] : memref<5x128x128xf32, #tpu.memory_space<vmem>> -> memref<1x128x128xf32, #tpu.memory_space<vmem>>
    %dma_wait3A_285 = tpu.memref_squeeze %dma_wait3A_284 : memref<1x128x128xf32, #tpu.memory_space<vmem>> -> memref<128x128xf32, #tpu.memory_space<vmem>>
    %dma_wait3A_286 = arith.constant 24960 : i32
    %dma_wait3A_287 = tpu.memref_slice %arg5[%dma_wait3A_286] : memref<25600xi32, #tpu.memory_space<vmem>> -> memref<128xi32, #tpu.memory_space<vmem>>
    %dma_wait3A_288 = arith.constant 0 : i32
    %dma_wait3A_289 = arith.constant 0 : i32
    %dma_wait3A_290 = tpu.memref_slice %arg2[%dma_wait3A_288, %dma_wait3A_289] : memref<1000000x128xf32, #tpu.memory_space<hbm>> -> memref<1000000x128xf32, #tpu.memory_space<hbm>>
    tpu.wait_indirect_dma semaphore(%arg7 : memref<!tpu.dma_semaphore, #tpu.memory_space<semaphore_mem>>) src(%dma_wait3A_290 : memref<1000000x128xf32, #tpu.memory_space<hbm>>) dst(%dma_wait3A_285 : memref<128x128xf32, #tpu.memory_space<vmem>>)
    %add3A_291 = arith.constant 24960 : i32
    %add3A_292 = arith.addi %mul3A_2, %add3A_291 : i32
    %dma_start3A_293 = arith.constant 0 : i32
    %dma_start3A_294 = arith.constant 0 : i32
    %dma_start3A_295 = arith.constant 0 : i32
    %dma_start3A_296 = tpu.memref_slice %arg6[%dma_start3A_293, %dma_start3A_294, %dma_start3A_295] : memref<5x128x128xf32, #tpu.memory_space<vmem>> -> memref<1x128x64xf32, #tpu.memory_space<vmem>>
    %dma_start3A_297 = tpu.memref_squeeze %dma_start3A_296 : memref<1x128x64xf32, #tpu.memory_space<vmem>> -> memref<128x64xf32, #tpu.memory_space<vmem>>
    %dma_start3A_298 = arith.constant 0 : i32
    %dma_start3A_299 = tpu.memref_slice %arg4[%add3A_292, %dma_start3A_298] : memref<819200x128xf32, #tpu.memory_space<hbm>> -> memref<128x64xf32, #tpu.memory_space<hbm>>
    %dma_start3A_300 = arith.constant 0 : i32
    %dma_start3A_301 = tpu.memref_slice %arg4[%add3A_292, %dma_start3A_300] : memref<819200x128xf32, #tpu.memory_space<hbm>> -> memref<128x64xf32, #tpu.memory_space<hbm>>
    %dma_start3A_302 = arith.constant 0 : i32
    %dma_start3A_303 = arith.constant 0 : i32
    %dma_start3A_304 = tpu.memref_slice %arg6[%dma_start3A_293, %dma_start3A_302, %dma_start3A_303] : memref<5x128x128xf32, #tpu.memory_space<vmem>> -> memref<1x128x64xf32, #tpu.memory_space<vmem>>
    %dma_start3A_305 = tpu.memref_squeeze %dma_start3A_304 : memref<1x128x64xf32, #tpu.memory_space<vmem>> -> memref<128x64xf32, #tpu.memory_space<vmem>>
    tpu.enqueue_dma source(%dma_start3A_305 : memref<128x64xf32, #tpu.memory_space<vmem>>) target(%dma_start3A_301 : memref<128x64xf32, #tpu.memory_space<hbm>>) target_semaphore(%arg8 : memref<!tpu.dma_semaphore, #tpu.memory_space<semaphore_mem>>)
    %add3A_306 = arith.constant 24832 : i32
    %add3A_307 = arith.addi %mul3A_2, %add3A_306 : i32
    %dma_wait3A_308 = arith.constant 4 : i32
    %dma_wait3A_309 = arith.constant 0 : i32
    %dma_wait3A_310 = arith.constant 0 : i32
    %dma_wait3A_311 = tpu.memref_slice %arg6[%dma_wait3A_308, %dma_wait3A_309, %dma_wait3A_310] : memref<5x128x128xf32, #tpu.memory_space<vmem>> -> memref<1x128x64xf32, #tpu.memory_space<vmem>>
    %dma_wait3A_312 = tpu.memref_squeeze %dma_wait3A_311 : memref<1x128x64xf32, #tpu.memory_space<vmem>> -> memref<128x64xf32, #tpu.memory_space<vmem>>
    %dma_wait3A_313 = arith.constant 0 : i32
    %dma_wait3A_314 = tpu.memref_slice %arg4[%add3A_307, %dma_wait3A_313] : memref<819200x128xf32, #tpu.memory_space<hbm>> -> memref<128x64xf32, #tpu.memory_space<hbm>>
    %dma_wait3A_315 = arith.constant 0 : i32
    %dma_wait3A_316 = tpu.memref_slice %arg4[%add3A_307, %dma_wait3A_315] : memref<819200x128xf32, #tpu.memory_space<hbm>> -> memref<128x64xf32, #tpu.memory_space<hbm>>
    %dma_wait3A_317 = arith.constant 0 : i32
    %dma_wait3A_318 = arith.constant 0 : i32
    %dma_wait3A_319 = tpu.memref_slice %arg6[%dma_wait3A_308, %dma_wait3A_317, %dma_wait3A_318] : memref<5x128x128xf32, #tpu.memory_space<vmem>> -> memref<1x128x64xf32, #tpu.memory_space<vmem>>
    %dma_wait3A_320 = tpu.memref_squeeze %dma_wait3A_319 : memref<1x128x64xf32, #tpu.memory_space<vmem>> -> memref<128x64xf32, #tpu.memory_space<vmem>>
    tpu.wait_dma2 semaphore(%arg8 : memref<!tpu.dma_semaphore, #tpu.memory_space<semaphore_mem>>) src(%dma_wait3A_320 : memref<128x64xf32, #tpu.memory_space<vmem>>) dst(%dma_wait3A_316 : memref<128x64xf32, #tpu.memory_space<hbm>>)
    %dma_start3A_321 = arith.constant 4 : i32
    %dma_start3A_322 = arith.constant 0 : i32
    %dma_start3A_323 = arith.constant 0 : i32
    %dma_start3A_324 = tpu.memref_slice %arg6[%dma_start3A_321, %dma_start3A_322, %dma_start3A_323] : memref<5x128x128xf32, #tpu.memory_space<vmem>> -> memref<1x128x128xf32, #tpu.memory_space<vmem>>
    %dma_start3A_325 = tpu.memref_squeeze %dma_start3A_324 : memref<1x128x128xf32, #tpu.memory_space<vmem>> -> memref<128x128xf32, #tpu.memory_space<vmem>>
    %dma_start3A_326 = arith.constant 25472 : i32
    %dma_start3A_327 = tpu.memref_slice %arg5[%dma_start3A_326] : memref<25600xi32, #tpu.memory_space<vmem>> -> memref<128xi32, #tpu.memory_space<vmem>>
    %dma_start3A_328 = arith.constant 0 : i32
    %dma_start3A_329 = arith.constant 0 : i32
    %dma_start3A_330 = tpu.memref_slice %arg2[%dma_start3A_328, %dma_start3A_329] : memref<1000000x128xf32, #tpu.memory_space<hbm>> -> memref<1000000x128xf32, #tpu.memory_space<hbm>>
    tpu.enqueue_indirect_dma source(%dma_start3A_330 : memref<1000000x128xf32, #tpu.memory_space<hbm>>) target(%dma_start3A_325 : memref<128x128xf32, #tpu.memory_space<vmem>>) offsets(%dma_start3A_327 : memref<128xi32, #tpu.memory_space<vmem>>) semaphore(%arg7 : memref<!tpu.dma_semaphore, #tpu.memory_space<semaphore_mem>>)
    %dma_wait3A_331 = arith.constant 1 : i32
    %dma_wait3A_332 = arith.constant 0 : i32
    %dma_wait3A_333 = arith.constant 0 : i32
    %dma_wait3A_334 = tpu.memref_slice %arg6[%dma_wait3A_331, %dma_wait3A_332, %dma_wait3A_333] : memref<5x128x128xf32, #tpu.memory_space<vmem>> -> memref<1x128x128xf32, #tpu.memory_space<vmem>>
    %dma_wait3A_335 = tpu.memref_squeeze %dma_wait3A_334 : memref<1x128x128xf32, #tpu.memory_space<vmem>> -> memref<128x128xf32, #tpu.memory_space<vmem>>
    %dma_wait3A_336 = arith.constant 25088 : i32
    %dma_wait3A_337 = tpu.memref_slice %arg5[%dma_wait3A_336] : memref<25600xi32, #tpu.memory_space<vmem>> -> memref<128xi32, #tpu.memory_space<vmem>>
    %dma_wait3A_338 = arith.constant 0 : i32
    %dma_wait3A_339 = arith.constant 0 : i32
    %dma_wait3A_340 = tpu.memref_slice %arg2[%dma_wait3A_338, %dma_wait3A_339] : memref<1000000x128xf32, #tpu.memory_space<hbm>> -> memref<1000000x128xf32, #tpu.memory_space<hbm>>
    tpu.wait_indirect_dma semaphore(%arg7 : memref<!tpu.dma_semaphore, #tpu.memory_space<semaphore_mem>>) src(%dma_wait3A_340 : memref<1000000x128xf32, #tpu.memory_space<hbm>>) dst(%dma_wait3A_335 : memref<128x128xf32, #tpu.memory_space<vmem>>)
    %add3A_341 = arith.constant 25088 : i32
    %add3A_342 = arith.addi %mul3A_2, %add3A_341 : i32
    %dma_start3A_343 = arith.constant 1 : i32
    %dma_start3A_344 = arith.constant 0 : i32
    %dma_start3A_345 = arith.constant 0 : i32
    %dma_start3A_346 = tpu.memref_slice %arg6[%dma_start3A_343, %dma_start3A_344, %dma_start3A_345] : memref<5x128x128xf32, #tpu.memory_space<vmem>> -> memref<1x128x64xf32, #tpu.memory_space<vmem>>
    %dma_start3A_347 = tpu.memref_squeeze %dma_start3A_346 : memref<1x128x64xf32, #tpu.memory_space<vmem>> -> memref<128x64xf32, #tpu.memory_space<vmem>>
    %dma_start3A_348 = arith.constant 0 : i32
    %dma_start3A_349 = tpu.memref_slice %arg4[%add3A_342, %dma_start3A_348] : memref<819200x128xf32, #tpu.memory_space<hbm>> -> memref<128x64xf32, #tpu.memory_space<hbm>>
    %dma_start3A_350 = arith.constant 0 : i32
    %dma_start3A_351 = tpu.memref_slice %arg4[%add3A_342, %dma_start3A_350] : memref<819200x128xf32, #tpu.memory_space<hbm>> -> memref<128x64xf32, #tpu.memory_space<hbm>>
    %dma_start3A_352 = arith.constant 0 : i32
    %dma_start3A_353 = arith.constant 0 : i32
    %dma_start3A_354 = tpu.memref_slice %arg6[%dma_start3A_343, %dma_start3A_352, %dma_start3A_353] : memref<5x128x128xf32, #tpu.memory_space<vmem>> -> memref<1x128x64xf32, #tpu.memory_space<vmem>>
    %dma_start3A_355 = tpu.memref_squeeze %dma_start3A_354 : memref<1x128x64xf32, #tpu.memory_space<vmem>> -> memref<128x64xf32, #tpu.memory_space<vmem>>
    tpu.enqueue_dma source(%dma_start3A_355 : memref<128x64xf32, #tpu.memory_space<vmem>>) target(%dma_start3A_351 : memref<128x64xf32, #tpu.memory_space<hbm>>) target_semaphore(%arg8 : memref<!tpu.dma_semaphore, #tpu.memory_space<semaphore_mem>>)
    %dma_wait3A_356 = arith.constant 2 : i32
    %dma_wait3A_357 = arith.constant 0 : i32
    %dma_wait3A_358 = arith.constant 0 : i32
    %dma_wait3A_359 = tpu.memref_slice %arg6[%dma_wait3A_356, %dma_wait3A_357, %dma_wait3A_358] : memref<5x128x128xf32, #tpu.memory_space<vmem>> -> memref<1x128x128xf32, #tpu.memory_space<vmem>>
    %dma_wait3A_360 = tpu.memref_squeeze %dma_wait3A_359 : memref<1x128x128xf32, #tpu.memory_space<vmem>> -> memref<128x128xf32, #tpu.memory_space<vmem>>
    %dma_wait3A_361 = arith.constant 25216 : i32
    %dma_wait3A_362 = tpu.memref_slice %arg5[%dma_wait3A_361] : memref<25600xi32, #tpu.memory_space<vmem>> -> memref<128xi32, #tpu.memory_space<vmem>>
    %dma_wait3A_363 = arith.constant 0 : i32
    %dma_wait3A_364 = arith.constant 0 : i32
    %dma_wait3A_365 = tpu.memref_slice %arg2[%dma_wait3A_363, %dma_wait3A_364] : memref<1000000x128xf32, #tpu.memory_space<hbm>> -> memref<1000000x128xf32, #tpu.memory_space<hbm>>
    tpu.wait_indirect_dma semaphore(%arg7 : memref<!tpu.dma_semaphore, #tpu.memory_space<semaphore_mem>>) src(%dma_wait3A_365 : memref<1000000x128xf32, #tpu.memory_space<hbm>>) dst(%dma_wait3A_360 : memref<128x128xf32, #tpu.memory_space<vmem>>)
    %add3A_366 = arith.constant 25216 : i32
    %add3A_367 = arith.addi %mul3A_2, %add3A_366 : i32
    %dma_start3A_368 = arith.constant 2 : i32
    %dma_start3A_369 = arith.constant 0 : i32
    %dma_start3A_370 = arith.constant 0 : i32
    %dma_start3A_371 = tpu.memref_slice %arg6[%dma_start3A_368, %dma_start3A_369, %dma_start3A_370] : memref<5x128x128xf32, #tpu.memory_space<vmem>> -> memref<1x128x64xf32, #tpu.memory_space<vmem>>
    %dma_start3A_372 = tpu.memref_squeeze %dma_start3A_371 : memref<1x128x64xf32, #tpu.memory_space<vmem>> -> memref<128x64xf32, #tpu.memory_space<vmem>>
    %dma_start3A_373 = arith.constant 0 : i32
    %dma_start3A_374 = tpu.memref_slice %arg4[%add3A_367, %dma_start3A_373] : memref<819200x128xf32, #tpu.memory_space<hbm>> -> memref<128x64xf32, #tpu.memory_space<hbm>>
    %dma_start3A_375 = arith.constant 0 : i32
    %dma_start3A_376 = tpu.memref_slice %arg4[%add3A_367, %dma_start3A_375] : memref<819200x128xf32, #tpu.memory_space<hbm>> -> memref<128x64xf32, #tpu.memory_space<hbm>>
    %dma_start3A_377 = arith.constant 0 : i32
    %dma_start3A_378 = arith.constant 0 : i32
    %dma_start3A_379 = tpu.memref_slice %arg6[%dma_start3A_368, %dma_start3A_377, %dma_start3A_378] : memref<5x128x128xf32, #tpu.memory_space<vmem>> -> memref<1x128x64xf32, #tpu.memory_space<vmem>>
    %dma_start3A_380 = tpu.memref_squeeze %dma_start3A_379 : memref<1x128x64xf32, #tpu.memory_space<vmem>> -> memref<128x64xf32, #tpu.memory_space<vmem>>
    tpu.enqueue_dma source(%dma_start3A_380 : memref<128x64xf32, #tpu.memory_space<vmem>>) target(%dma_start3A_376 : memref<128x64xf32, #tpu.memory_space<hbm>>) target_semaphore(%arg8 : memref<!tpu.dma_semaphore, #tpu.memory_space<semaphore_mem>>)
    %dma_wait3A_381 = arith.constant 3 : i32
    %dma_wait3A_382 = arith.constant 0 : i32
    %dma_wait3A_383 = arith.constant 0 : i32
    %dma_wait3A_384 = tpu.memref_slice %arg6[%dma_wait3A_381, %dma_wait3A_382, %dma_wait3A_383] : memref<5x128x128xf32, #tpu.memory_space<vmem>> -> memref<1x128x128xf32, #tpu.memory_space<vmem>>
    %dma_wait3A_385 = tpu.memref_squeeze %dma_wait3A_384 : memref<1x128x128xf32, #tpu.memory_space<vmem>> -> memref<128x128xf32, #tpu.memory_space<vmem>>
    %dma_wait3A_386 = arith.constant 25344 : i32
    %dma_wait3A_387 = tpu.memref_slice %arg5[%dma_wait3A_386] : memref<25600xi32, #tpu.memory_space<vmem>> -> memref<128xi32, #tpu.memory_space<vmem>>
    %dma_wait3A_388 = arith.constant 0 : i32
    %dma_wait3A_389 = arith.constant 0 : i32
    %dma_wait3A_390 = tpu.memref_slice %arg2[%dma_wait3A_388, %dma_wait3A_389] : memref<1000000x128xf32, #tpu.memory_space<hbm>> -> memref<1000000x128xf32, #tpu.memory_space<hbm>>
    tpu.wait_indirect_dma semaphore(%arg7 : memref<!tpu.dma_semaphore, #tpu.memory_space<semaphore_mem>>) src(%dma_wait3A_390 : memref<1000000x128xf32, #tpu.memory_space<hbm>>) dst(%dma_wait3A_385 : memref<128x128xf32, #tpu.memory_space<vmem>>)
    %add3A_391 = arith.constant 25344 : i32
    %add3A_392 = arith.addi %mul3A_2, %add3A_391 : i32
    %dma_start3A_393 = arith.constant 3 : i32
    %dma_start3A_394 = arith.constant 0 : i32
    %dma_start3A_395 = arith.constant 0 : i32
    %dma_start3A_396 = tpu.memref_slice %arg6[%dma_start3A_393, %dma_start3A_394, %dma_start3A_395] : memref<5x128x128xf32, #tpu.memory_space<vmem>> -> memref<1x128x64xf32, #tpu.memory_space<vmem>>
    %dma_start3A_397 = tpu.memref_squeeze %dma_start3A_396 : memref<1x128x64xf32, #tpu.memory_space<vmem>> -> memref<128x64xf32, #tpu.memory_space<vmem>>
    %dma_start3A_398 = arith.constant 0 : i32
    %dma_start3A_399 = tpu.memref_slice %arg4[%add3A_392, %dma_start3A_398] : memref<819200x128xf32, #tpu.memory_space<hbm>> -> memref<128x64xf32, #tpu.memory_space<hbm>>
    %dma_start3A_400 = arith.constant 0 : i32
    %dma_start3A_401 = tpu.memref_slice %arg4[%add3A_392, %dma_start3A_400] : memref<819200x128xf32, #tpu.memory_space<hbm>> -> memref<128x64xf32, #tpu.memory_space<hbm>>
    %dma_start3A_402 = arith.constant 0 : i32
    %dma_start3A_403 = arith.constant 0 : i32
    %dma_start3A_404 = tpu.memref_slice %arg6[%dma_start3A_393, %dma_start3A_402, %dma_start3A_403] : memref<5x128x128xf32, #tpu.memory_space<vmem>> -> memref<1x128x64xf32, #tpu.memory_space<vmem>>
    %dma_start3A_405 = tpu.memref_squeeze %dma_start3A_404 : memref<1x128x64xf32, #tpu.memory_space<vmem>> -> memref<128x64xf32, #tpu.memory_space<vmem>>
    tpu.enqueue_dma source(%dma_start3A_405 : memref<128x64xf32, #tpu.memory_space<vmem>>) target(%dma_start3A_401 : memref<128x64xf32, #tpu.memory_space<hbm>>) target_semaphore(%arg8 : memref<!tpu.dma_semaphore, #tpu.memory_space<semaphore_mem>>)
    %dma_wait3A_406 = arith.constant 4 : i32
    %dma_wait3A_407 = arith.constant 0 : i32
    %dma_wait3A_408 = arith.constant 0 : i32
    %dma_wait3A_409 = tpu.memref_slice %arg6[%dma_wait3A_406, %dma_wait3A_407, %dma_wait3A_408] : memref<5x128x128xf32, #tpu.memory_space<vmem>> -> memref<1x128x128xf32, #tpu.memory_space<vmem>>
    %dma_wait3A_410 = tpu.memref_squeeze %dma_wait3A_409 : memref<1x128x128xf32, #tpu.memory_space<vmem>> -> memref<128x128xf32, #tpu.memory_space<vmem>>
    %dma_wait3A_411 = arith.constant 25472 : i32
    %dma_wait3A_412 = tpu.memref_slice %arg5[%dma_wait3A_411] : memref<25600xi32, #tpu.memory_space<vmem>> -> memref<128xi32, #tpu.memory_space<vmem>>
    %dma_wait3A_413 = arith.constant 0 : i32
    %dma_wait3A_414 = arith.constant 0 : i32
    %dma_wait3A_415 = tpu.memref_slice %arg2[%dma_wait3A_413, %dma_wait3A_414] : memref<1000000x128xf32, #tpu.memory_space<hbm>> -> memref<1000000x128xf32, #tpu.memory_space<hbm>>
    tpu.wait_indirect_dma semaphore(%arg7 : memref<!tpu.dma_semaphore, #tpu.memory_space<semaphore_mem>>) src(%dma_wait3A_415 : memref<1000000x128xf32, #tpu.memory_space<hbm>>) dst(%dma_wait3A_410 : memref<128x128xf32, #tpu.memory_space<vmem>>)
    %add3A_416 = arith.constant 25472 : i32
    %add3A_417 = arith.addi %mul3A_2, %add3A_416 : i32
    %dma_start3A_418 = arith.constant 4 : i32
    %dma_start3A_419 = arith.constant 0 : i32
    %dma_start3A_420 = arith.constant 0 : i32
    %dma_start3A_421 = tpu.memref_slice %arg6[%dma_start3A_418, %dma_start3A_419, %dma_start3A_420] : memref<5x128x128xf32, #tpu.memory_space<vmem>> -> memref<1x128x64xf32, #tpu.memory_space<vmem>>
    %dma_start3A_422 = tpu.memref_squeeze %dma_start3A_421 : memref<1x128x64xf32, #tpu.memory_space<vmem>> -> memref<128x64xf32, #tpu.memory_space<vmem>>
    %dma_start3A_423 = arith.constant 0 : i32
    %dma_start3A_424 = tpu.memref_slice %arg4[%add3A_417, %dma_start3A_423] : memref<819200x128xf32, #tpu.memory_space<hbm>> -> memref<128x64xf32, #tpu.memory_space<hbm>>
    %dma_start3A_425 = arith.constant 0 : i32
    %dma_start3A_426 = tpu.memref_slice %arg4[%add3A_417, %dma_start3A_425] : memref<819200x128xf32, #tpu.memory_space<hbm>> -> memref<128x64xf32, #tpu.memory_space<hbm>>
    %dma_start3A_427 = arith.constant 0 : i32
    %dma_start3A_428 = arith.constant 0 : i32
    %dma_start3A_429 = tpu.memref_slice %arg6[%dma_start3A_418, %dma_start3A_427, %dma_start3A_428] : memref<5x128x128xf32, #tpu.memory_space<vmem>> -> memref<1x128x64xf32, #tpu.memory_space<vmem>>
    %dma_start3A_430 = tpu.memref_squeeze %dma_start3A_429 : memref<1x128x64xf32, #tpu.memory_space<vmem>> -> memref<128x64xf32, #tpu.memory_space<vmem>>
    tpu.enqueue_dma source(%dma_start3A_430 : memref<128x64xf32, #tpu.memory_space<vmem>>) target(%dma_start3A_426 : memref<128x64xf32, #tpu.memory_space<hbm>>) target_semaphore(%arg8 : memref<!tpu.dma_semaphore, #tpu.memory_space<semaphore_mem>>)
    %add3A_431 = arith.constant 24960 : i32
    %add3A_432 = arith.addi %mul3A_2, %add3A_431 : i32
    %dma_wait3A_433 = arith.constant 0 : i32
    %dma_wait3A_434 = arith.constant 0 : i32
    %dma_wait3A_435 = arith.constant 0 : i32
    %dma_wait3A_436 = tpu.memref_slice %arg6[%dma_wait3A_433, %dma_wait3A_434, %dma_wait3A_435] : memref<5x128x128xf32, #tpu.memory_space<vmem>> -> memref<1x128x64xf32, #tpu.memory_space<vmem>>
    %dma_wait3A_437 = tpu.memref_squeeze %dma_wait3A_436 : memref<1x128x64xf32, #tpu.memory_space<vmem>> -> memref<128x64xf32, #tpu.memory_space<vmem>>
    %dma_wait3A_438 = arith.constant 0 : i32
    %dma_wait3A_439 = tpu.memref_slice %arg4[%add3A_432, %dma_wait3A_438] : memref<819200x128xf32, #tpu.memory_space<hbm>> -> memref<128x64xf32, #tpu.memory_space<hbm>>
    %dma_wait3A_440 = arith.constant 0 : i32
    %dma_wait3A_441 = tpu.memref_slice %arg4[%add3A_432, %dma_wait3A_440] : memref<819200x128xf32, #tpu.memory_space<hbm>> -> memref<128x64xf32, #tpu.memory_space<hbm>>
    %dma_wait3A_442 = arith.constant 0 : i32
    %dma_wait3A_443 = arith.constant 0 : i32
    %dma_wait3A_444 = tpu.memref_slice %arg6[%dma_wait3A_433, %dma_wait3A_442, %dma_wait3A_443] : memref<5x128x128xf32, #tpu.memory_space<vmem>> -> memref<1x128x64xf32, #tpu.memory_space<vmem>>
    %dma_wait3A_445 = tpu.memref_squeeze %dma_wait3A_444 : memref<1x128x64xf32, #tpu.memory_space<vmem>> -> memref<128x64xf32, #tpu.memory_space<vmem>>
    tpu.wait_dma2 semaphore(%arg8 : memref<!tpu.dma_semaphore, #tpu.memory_space<semaphore_mem>>) src(%dma_wait3A_445 : memref<128x64xf32, #tpu.memory_space<vmem>>) dst(%dma_wait3A_441 : memref<128x64xf32, #tpu.memory_space<hbm>>)
    %add3A_446 = arith.constant 25088 : i32
    %add3A_447 = arith.addi %mul3A_2, %add3A_446 : i32
    %dma_wait3A_448 = arith.constant 1 : i32
    %dma_wait3A_449 = arith.constant 0 : i32
    %dma_wait3A_450 = arith.constant 0 : i32
    %dma_wait3A_451 = tpu.memref_slice %arg6[%dma_wait3A_448, %dma_wait3A_449, %dma_wait3A_450] : memref<5x128x128xf32, #tpu.memory_space<vmem>> -> memref<1x128x64xf32, #tpu.memory_space<vmem>>
    %dma_wait3A_452 = tpu.memref_squeeze %dma_wait3A_451 : memref<1x128x64xf32, #tpu.memory_space<vmem>> -> memref<128x64xf32, #tpu.memory_space<vmem>>
    %dma_wait3A_453 = arith.constant 0 : i32
    %dma_wait3A_454 = tpu.memref_slice %arg4[%add3A_447, %dma_wait3A_453] : memref<819200x128xf32, #tpu.memory_space<hbm>> -> memref<128x64xf32, #tpu.memory_space<hbm>>
    %dma_wait3A_455 = arith.constant 0 : i32
    %dma_wait3A_456 = tpu.memref_slice %arg4[%add3A_447, %dma_wait3A_455] : memref<819200x128xf32, #tpu.memory_space<hbm>> -> memref<128x64xf32, #tpu.memory_space<hbm>>
    %dma_wait3A_457 = arith.constant 0 : i32
    %dma_wait3A_458 = arith.constant 0 : i32
    %dma_wait3A_459 = tpu.memref_slice %arg6[%dma_wait3A_448, %dma_wait3A_457, %dma_wait3A_458] : memref<5x128x128xf32, #tpu.memory_space<vmem>> -> memref<1x128x64xf32, #tpu.memory_space<vmem>>
    %dma_wait3A_460 = tpu.memref_squeeze %dma_wait3A_459 : memref<1x128x64xf32, #tpu.memory_space<vmem>> -> memref<128x64xf32, #tpu.memory_space<vmem>>
    tpu.wait_dma2 semaphore(%arg8 : memref<!tpu.dma_semaphore, #tpu.memory_space<semaphore_mem>>) src(%dma_wait3A_460 : memref<128x64xf32, #tpu.memory_space<vmem>>) dst(%dma_wait3A_456 : memref<128x64xf32, #tpu.memory_space<hbm>>)
    %add3A_461 = arith.constant 25216 : i32
    %add3A_462 = arith.addi %mul3A_2, %add3A_461 : i32
    %dma_wait3A_463 = arith.constant 2 : i32
    %dma_wait3A_464 = arith.constant 0 : i32
    %dma_wait3A_465 = arith.constant 0 : i32
    %dma_wait3A_466 = tpu.memref_slice %arg6[%dma_wait3A_463, %dma_wait3A_464, %dma_wait3A_465] : memref<5x128x128xf32, #tpu.memory_space<vmem>> -> memref<1x128x64xf32, #tpu.memory_space<vmem>>
    %dma_wait3A_467 = tpu.memref_squeeze %dma_wait3A_466 : memref<1x128x64xf32, #tpu.memory_space<vmem>> -> memref<128x64xf32, #tpu.memory_space<vmem>>
    %dma_wait3A_468 = arith.constant 0 : i32
    %dma_wait3A_469 = tpu.memref_slice %arg4[%add3A_462, %dma_wait3A_468] : memref<819200x128xf32, #tpu.memory_space<hbm>> -> memref<128x64xf32, #tpu.memory_space<hbm>>
    %dma_wait3A_470 = arith.constant 0 : i32
    %dma_wait3A_471 = tpu.memref_slice %arg4[%add3A_462, %dma_wait3A_470] : memref<819200x128xf32, #tpu.memory_space<hbm>> -> memref<128x64xf32, #tpu.memory_space<hbm>>
    %dma_wait3A_472 = arith.constant 0 : i32
    %dma_wait3A_473 = arith.constant 0 : i32
    %dma_wait3A_474 = tpu.memref_slice %arg6[%dma_wait3A_463, %dma_wait3A_472, %dma_wait3A_473] : memref<5x128x128xf32, #tpu.memory_space<vmem>> -> memref<1x128x64xf32, #tpu.memory_space<vmem>>
    %dma_wait3A_475 = tpu.memref_squeeze %dma_wait3A_474 : memref<1x128x64xf32, #tpu.memory_space<vmem>> -> memref<128x64xf32, #tpu.memory_space<vmem>>
    tpu.wait_dma2 semaphore(%arg8 : memref<!tpu.dma_semaphore, #tpu.memory_space<semaphore_mem>>) src(%dma_wait3A_475 : memref<128x64xf32, #tpu.memory_space<vmem>>) dst(%dma_wait3A_471 : memref<128x64xf32, #tpu.memory_space<hbm>>)
    %add3A_476 = arith.constant 25344 : i32
    %add3A_477 = arith.addi %mul3A_2, %add3A_476 : i32
    %dma_wait3A_478 = arith.constant 3 : i32
    %dma_wait3A_479 = arith.constant 0 : i32
    %dma_wait3A_480 = arith.constant 0 : i32
    %dma_wait3A_481 = tpu.memref_slice %arg6[%dma_wait3A_478, %dma_wait3A_479, %dma_wait3A_480] : memref<5x128x128xf32, #tpu.memory_space<vmem>> -> memref<1x128x64xf32, #tpu.memory_space<vmem>>
    %dma_wait3A_482 = tpu.memref_squeeze %dma_wait3A_481 : memref<1x128x64xf32, #tpu.memory_space<vmem>> -> memref<128x64xf32, #tpu.memory_space<vmem>>
    %dma_wait3A_483 = arith.constant 0 : i32
    %dma_wait3A_484 = tpu.memref_slice %arg4[%add3A_477, %dma_wait3A_483] : memref<819200x128xf32, #tpu.memory_space<hbm>> -> memref<128x64xf32, #tpu.memory_space<hbm>>
    %dma_wait3A_485 = arith.constant 0 : i32
    %dma_wait3A_486 = tpu.memref_slice %arg4[%add3A_477, %dma_wait3A_485] : memref<819200x128xf32, #tpu.memory_space<hbm>> -> memref<128x64xf32, #tpu.memory_space<hbm>>
    %dma_wait3A_487 = arith.constant 0 : i32
    %dma_wait3A_488 = arith.constant 0 : i32
    %dma_wait3A_489 = tpu.memref_slice %arg6[%dma_wait3A_478, %dma_wait3A_487, %dma_wait3A_488] : memref<5x128x128xf32, #tpu.memory_space<vmem>> -> memref<1x128x64xf32, #tpu.memory_space<vmem>>
    %dma_wait3A_490 = tpu.memref_squeeze %dma_wait3A_489 : memref<1x128x64xf32, #tpu.memory_space<vmem>> -> memref<128x64xf32, #tpu.memory_space<vmem>>
    tpu.wait_dma2 semaphore(%arg8 : memref<!tpu.dma_semaphore, #tpu.memory_space<semaphore_mem>>) src(%dma_wait3A_490 : memref<128x64xf32, #tpu.memory_space<vmem>>) dst(%dma_wait3A_486 : memref<128x64xf32, #tpu.memory_space<hbm>>)
    %add3A_491 = arith.constant 25472 : i32
    %add3A_492 = arith.addi %mul3A_2, %add3A_491 : i32
    %dma_wait3A_493 = arith.constant 4 : i32
    %dma_wait3A_494 = arith.constant 0 : i32
    %dma_wait3A_495 = arith.constant 0 : i32
    %dma_wait3A_496 = tpu.memref_slice %arg6[%dma_wait3A_493, %dma_wait3A_494, %dma_wait3A_495] : memref<5x128x128xf32, #tpu.memory_space<vmem>> -> memref<1x128x64xf32, #tpu.memory_space<vmem>>
    %dma_wait3A_497 = tpu.memref_squeeze %dma_wait3A_496 : memref<1x128x64xf32, #tpu.memory_space<vmem>> -> memref<128x64xf32, #tpu.memory_space<vmem>>
    %dma_wait3A_498 = arith.constant 0 : i32
    %dma_wait3A_499 = tpu.memref_slice %arg4[%add3A_492, %dma_wait3A_498] : memref<819200x128xf32, #tpu.memory_space<hbm>> -> memref<128x64xf32, #tpu.memory_space<hbm>>
    %dma_wait3A_500 = arith.constant 0 : i32
    %dma_wait3A_501 = tpu.memref_slice %arg4[%add3A_492, %dma_wait3A_500] : memref<819200x128xf32, #tpu.memory_space<hbm>> -> memref<128x64xf32, #tpu.memory_space<hbm>>
    %dma_wait3A_502 = arith.constant 0 : i32
    %dma_wait3A_503 = arith.constant 0 : i32
    %dma_wait3A_504 = tpu.memref_slice %arg6[%dma_wait3A_493, %dma_wait3A_502, %dma_wait3A_503] : memref<5x128x128xf32, #tpu.memory_space<vmem>> -> memref<1x128x64xf32, #tpu.memory_space<vmem>>
    %dma_wait3A_505 = tpu.memref_squeeze %dma_wait3A_504 : memref<1x128x64xf32, #tpu.memory_space<vmem>> -> memref<128x64xf32, #tpu.memory_space<vmem>>
    tpu.wait_dma2 semaphore(%arg8 : memref<!tpu.dma_semaphore, #tpu.memory_space<semaphore_mem>>) src(%dma_wait3A_505 : memref<128x64xf32, #tpu.memory_space<vmem>>) dst(%dma_wait3A_501 : memref<128x64xf32, #tpu.memory_space<hbm>>)
    return
  }
}

</mosaic_0001>

<sc_bundles>
// kernel: kernel.3.cloned.1.call-start
scs
__scs_entry_jumppad:
0x0: {  	(pc) =	sbr.rel $0x88, $3  }
0x1: {  	(tag) =	ssettag $0x0;
	lr =	simm.s32 $0x1  }
0x2: {  	[smem:$0x3F9F] =	sst lr;
	_ =	strace $0xD0000000  }
0x3: {  	_ = 	snop  }
0x4: {  	_ = 	snop  }
0x5: {  	_ = 	snop  }
0x6: {  	_ = 	snop  }
0x7: {  	_ = 	snop  }
__scs_overlays_trampoline_lowered:
0x8: {  	[smem:$0x3FAE] =	sst s0  }
0x9: {  	[smem:$0x3FAF] =	sst s1  }
0xa: {  	[smem:$0x3FB0] =	sst s2  }
0xb: {  	[smem:$0x3FB1] =	sst s3  }
0xc: {  	[smem:$0x3FB2] =	sst s4  }
0xd: {  	[smem:$0x3FB3] =	sst s5  }
0xe: {  	[smem:$0x3FB4] =	sst s6  }
0xf: {  	[smem:$0x3FB5] =	sst s7  }
0x10: {  	[smem:$0x3FB6] =	sst s8  }
0x11: {  	[smem:$0x3FB7] =	sst s9;
	s0 =	simm.s32 @!p0 $0x0  }
0x12: {  	s1 =	sld [smem:$0x3F9D];
	s0 =	simm.s32 @p0 $0x1  }
0x13: {  	[smem:$0x3FB8] =	sst s0;
	s0 =	simm.s32 @!p1 $0x0  }
0x14: {  	s2 =	sld [smem:$0x3F9C];
	s0 =	simm.s32 @p1 $0x1  }
0x15: {  	[smem:$0x3FB9] =	sst s0;
	s0 =	simm.s32 @!p2 $0x0  }
0x16: {  	s3 =	sld [smem:$0x3FDB];
	s0 =	simm.s32 @p2 $0x1  }
0x17: {  	s4 =	simm.s32 $0x1BF5;
	[smem:$0x3FBB] =	sst s0  }
0x18: {  	s0 =	sld [smem:$0x3F9E];
	_ =	swait.ge [sflag:s4], $0x0  }
0x19: {  	s7 =	sld [smem:$0x3F9F]  }
0x1a: {  	s8 =	sadd.s32 $0xFFFFE003, lr  }
0x1b: {  	s9 =	sadd.s32 $0xFFFFFEF7, lr;
	s5 =	simm.s32 $0xFFFFFFFF;
	p2 =	slt.u32 s8, $0xFFFFF086  }
0x1c: {  	p1 =	slt.u32 s9, $0xF7A;
	s5 =	simm.s32 @!p2 $0x0  }
0x1d: {  	s5 =	simm.s32 @p1 $0x1;
	p0 =	seq.s32 s7, s2  }
0x1e: {  	s7 =	smul.u32 @!p0 $0xF7A, s2;
	p2 =	seq.s32 @!p0 s5, $0x0  }
0x1f: {  	s9 =	smul.u32 $0xF7A, s1;
	s8 =	simm.s32 @!p0 $0x1BF5;
	p2 =	por !p2, p0  }
0x20: {  	[sflag:s8] =	ssyncset.s32 @!p0 $0xFFFFF086;
	s6 =	sadd.s32 @!p0 s3, s7;
	s7 =	simm.s32 @!p0 $0x108  }
0x21: {  	s3 =	sadd.s32 s3, s9;
	s6 =	sadd.s32 @!p0 $0x88, s6;
	s7 =	simm.s32 @p2 $0x1082  }
0x22: {  	[simem:s7], [sflag:s8] =	dma.local @!p0 [hbm:s6], $0xF7A  }
0x23: {  	s9 =	sor.u32 $0xD0000000, s2;
	s6 =	simm.s32 $0x108;
	_ =	swait.ge @!p0 [sflag:s8], $0x0  }
0x24: {  	s3 =	sadd.s32 $0x88, s3;
	s6 =	simm.s32 @!p1 $0x1082;
	[sflag:s4] =	ssyncset.s32 $0xFFFFF086  }
0x25: {  	[simem:s6], [sflag:s4] =	dma.local [hbm:s3], $0xF7A  }
0x26: {  	[smem:$0x3F9F] =	sst s1;
	(tag) =	ssettag s2;
	_ =	strace s9  }
0x27: {  	s1 =	sld [smem:$0x3FAF]  }
0x28: {  	s2 =	sld [smem:$0x3FB0]  }
0x29: {  	s4 =	sld [smem:$0x3FB2]  }
0x2a: {  	p0 =	seq.s32 s5, $0x0;
	s5 =	sld [smem:$0x3FB3]  }
0x2b: {  	s6 =	sld [smem:$0x3FB4]  }
0x2c: {  	s7 =	sld [smem:$0x3FB5]  }
0x2d: {  	s3 =	simm.s32 $0x108;
	s8 =	sld [smem:$0x3FB6]  }
0x2e: {  	s3 =	simm.s32 @!p0 $0x1082;
	s9 =	sld [smem:$0x3FB7]  }
0x2f: {  	lr =	sadd.s32 s0, s3;
	s0 =	sld [smem:$0x3FAE]  }
0x30: {  	s3 =	sld [smem:$0x3FB1]  }
0x31: {  	[smem:$0x3FBA] =	sst s10  }
0x32: {  	s10 =	sld [smem:$0x3FB8];
	_ =	sdelay $0x3  }
0x33: {  	p0 =	seq.s32 s10, $0x1;
	s10 =	sld [smem:$0x3FBA];
	_ =	sdelay $0x3  }
0x34: {  	[smem:$0x3FBA] =	sst s10  }
0x35: {  	s10 =	sld [smem:$0x3FB9];
	_ =	sdelay $0x3  }
0x36: {  	p1 =	seq.s32 s10, $0x1;
	s10 =	sld [smem:$0x3FBA];
	_ =	sdelay $0x3  }
0x37: {  	[smem:$0x3FBA] =	sst s10  }
0x38: {  	s10 =	sld [smem:$0x3FBB]  }
0x39: {  	_ = 	snop;
	(pc) =	sbr.ind lr, $3  }
0x3a: {  	_ = 	snop  }
0x3b: {  	_ = 	snop  }
0x3c: {  	p2 =	seq.s32 s10, $0x1;
	s10 =	sld [smem:$0x3FBA]  }
0x3d: {  	_ =	shalt  }
0x3e: {  	_ =	shalt  }
0x3f: {  	_ =	shalt  }
0x40: {  	_ =	shalt  }
0x41: {  	_ =	shalt  }
0x42: {  	_ =	shalt  }
0x43: {  	_ =	shalt  }
0x44: {  	_ =	shalt  }
0x45: {  	_ =	shalt  }
0x46: {  	_ =	shalt  }
0x47: {  	_ =	shalt  }
0x48: {  	_ =	shalt  }
0x49: {  	_ =	shalt  }
0x4a: {  	_ =	shalt  }
0x4b: {  	_ =	shalt  }
0x4c: {  	_ =	shalt  }
0x4d: {  	_ =	shalt  }
0x4e: {  	_ =	shalt  }
0x4f: {  	_ =	shalt  }
0x50: {  	_ =	shalt  }
0x51: {  	_ =	shalt  }
0x52: {  	_ =	shalt  }
0x53: {  	_ =	shalt  }
0x54: {  	_ =	shalt  }
0x55: {  	_ =	shalt  }
0x56: {  	_ =	shalt  }
0x57: {  	_ =	shalt  }
0x58: {  	_ =	shalt  }
0x59: {  	_ =	shalt  }
0x5a: {  	_ =	shalt  }
0x5b: {  	_ =	shalt  }
0x5c: {  	_ =	shalt  }
0x5d: {  	_ =	shalt  }
0x5e: {  	_ =	shalt  }
0x5f: {  	_ =	shalt  }
0x60: {  	_ =	shalt  }
0x61: {  	_ =	shalt  }
0x62: {  	_ =	shalt  }
0x63: {  	_ =	shalt  }
0x64: {  	_ =	shalt  }
0x65: {  	_ =	shalt  }
0x66: {  	_ =	shalt  }
0x67: {  	_ =	shalt  }
0x68: {  	_ =	shalt  }
0x69: {  	_ =	shalt  }
0x6a: {  	_ =	shalt  }
0x6b: {  	_ =	shalt  }
0x6c: {  	_ =	shalt  }
0x6d: {  	_ =	shalt  }
0x6e: {  	_ =	shalt  }
0x6f: {  	_ =	shalt  }
0x70: {  	_ =	shalt  }
0x71: {  	_ =	shalt  }
0x72: {  	_ =	shalt  }
0x73: {  	_ =	shalt  }
0x74: {  	_ =	shalt  }
0x75: {  	_ =	shalt  }
0x76: {  	_ =	shalt  }
0x77: {  	_ =	shalt  }
0x78: {  	_ =	shalt  }
0x79: {  	_ =	shalt  }
0x7a: {  	_ =	shalt  }
0x7b: {  	_ =	shalt  }
0x7c: {  	_ =	shalt  }
0x7d: {  	_ =	shalt  }
0x7e: {  	_ =	shalt  }
0x7f: {  	_ =	shalt  }
0x80: {  	_ =	shalt  }
0x81: {  	_ =	shalt  }
0x82: {  	_ =	shalt  }
0x83: {  	_ =	shalt  }
0x84: {  	_ =	shalt  }
0x85: {  	_ =	shalt  }
0x86: {  	_ =	shalt  }
0x87: {  	_ =	shalt  }
.Lfunc_end0:
.L_simem_size_0:
called_computation.1_lowered:
.L_overlay_start_0:
0x88: {  	s2 =	sld [smem:$0x3FD9]  }
0x89: {  	s3 =	sld [smem:$0x3FFE];
	_ =	sdelay $0x1  }
0x8a: {  	s1 =	srdreg.scid  }
0x8b: {  	s0 =	sand.u32 $0x1, s1  }
0x8c: {  	s17 =	sshll.u32 s0, $0xA;
	s2 =	sadd.s32 s3, s2  }
0x8d: {  	s2 =	sadd.s32 s2, s17  }
0x8e: {  	[smem:$0x3FC6] =	sst s2  }
0x8f: {  	_ = 	snop  }
0x90: {  	s2 =	sld [smem:$0x3FD0];
	(tm) =	ssettm $0x1  }
0x91: {  	s18 =	sld [smem:$0x3FFB];
	_ =	sdelay $0x3  }
0x92: {  	_ =	strace s18  }
0x93: {  	s3 =	sld [smem:$0x3FFC];
	_ =	sdelay $0x3  }
0x94: {  	_ =	strace s3  }
0x95: {  	s3 =	sld [smem:$0x3FFD];
	_ =	sdelay $0x3  }
0x96: {  	_ =	strace s3  }
0x97: {  	_ =	strace $0x8FFFFFFF  }
0x98: {  	s19 =	sld [smem:$0x3FDB];
	_ =	sdelay $0x1  }
0x99: {  	s4 =	simm.s32 $_scs_section_size  }
0x9a: {  	s5 =	simm.s32 $_size__tile_overlayer_lowered;
	s6 =	simm.s32 $_tile_overlayer_lowered  }
0x9b: {  	s22 =	simm.s32 $0x1BFF;
	s21 =	sshll.u32 s6, $0x1;
	s3 =	sadd.s32 s4, s19  }
0x9c: {  	s7 =	simm.s32 $0x0;
	s20 =	sshll.u32 s5, $0x1;
	s5 =	sadd.s32 s21, s3  }
0x9d: {  	[timem:s7], [sflag:s22] =	dma.local [hbm:s5], s20  }
0x9e: {  	_ =	swait.ge [sflag:s22], s20  }
0x9f: {  	s4 =	ssub.s32 $0x0, s20;
	[sflag:s22] =	ssyncset.done $0x0  }
0xa0: {  	[sflag:s22] =	ssyncadd.s32 s4;
	_ =	sdelay $0x1  }
0xa1: {  	s23 =	simm.s32 $0x1B8B  }
0xa2: {  	_ =	swait.ge [sflag:s23], $0x1  }
0xa3: {  	[sflag:s23] =	ssyncset.done $0x0  }
0xa4: {  	s25 =	simm.s32 $0x1B8E;
	s24 =	sld [smem:$0x3FFE];
	[sflag:s23] =	ssyncadd.s32 $0xFFFFFFFF  }
0xa5: {  	s26 =	simm.s32 $execute0_lowered;
	[smem:$0x3FD2] =	sst s25  }
0xa6: {  	s5 =	sshll.u32 s26, $0x1;
	_ =	strace $0x80000046;
	[dreg:$0x1] =	wrdreg $0xFFFFFFFF  }
0xa7: {  	s28 =	simm.s32 $_size_execute0_lowered;
	s3 =	sadd.s32 s3, s5;
	[dreg:$0x0] =	wrdreg $0x0  }
0xa8: {  	s5 =	sshll.u32 s28, $0x1;
	[dreg:$0x2] =	wrdreg s3  }
0xa9: {  	[dreg:$0x3] =	wrdreg s5  }
0xaa: {  	[dreg:$0x4] =	wrdreg $0xC0  }
0xab: {  	_ =	task [dreg:s7], $0x5FFFF  }
0xac: {  	[dreg:$0x1] =	wrdreg $0xFFFFFFFF  }
0xad: {  	[dreg:$0x0] =	wrdreg $0x60  }
0xae: {  	[dreg:$0x2] =	wrdreg s24  }
0xaf: {  	[dreg:$0x3] =	wrdreg s2  }
0xb0: {  	[dreg:$0x4] =	wrdreg $0x9  }
0xb1: {  	_ =	task.clear_ibuf [dreg:s7], $0x5FFFF;
	_ =	strace $0x90000046  }
0xb2: {  	s29 =	simm.s32 $0x9;
	_ =	strace $0x80000048  }
0xb3: {  	_ =	swait.ge [sflag:s29], $0x1  }
0xb4: {  	[sflag:s29] =	ssyncadd.s32 $0xFFFFFFFF  }
0xb5: {  	_ =	strace $0x90000048  }
0xb6: {  	_ =	sfence  }
0xb7: {  	s30 =	sld [smem:$0x0];
	_ =	sdelay $0x2  }
0xb8: {  	s31 =	sshll.u32 s1, $0xD;
	s1 =	sshrl.u32 s1, $0x2  }
0xb9: {  	s3 =	sand.u32 $0x4000, s31;
	s1 =	sadd.s32 s1, s30  }
0xba: {  	s0 =	sor.u32 s3, s0;
	s1 =	sshll.u32 s1, $0x11  }
0xbb: {  	s0 =	sor.u32 s1, s0  }
0xbc: {  	s0 =	sadd.s32 $0x8F2B, s0  }
0xbd: {  	[sflag:s0] =	ssyncadd.remote.s32 $0x1  }
0xbe: {  	_ =	sfence.sel $0xFFFF  }
0xbf: {  	[dreg:$0x0] =	wrdreg $0xFFFFFFFF;
	(pc) =	sbr.abs _section_cstart, $3  }
0xc0: {  	[dreg:$0x1] =	wrdreg $0xFFFFFFFF  }
0xc1: {  	_ =	task.clear_ibuf [dreg:s7], $0x2FFFF;
	_ =	strace $0x9FFFFFFF  }
0xc2: {  	(tm) =	ssettm $0x7FFFFFFF  }
0xc3: {  	_ =	shalt  }
tec
execute0_lowered:
.L_overlay_start_1:
0x0: {  	(tag) =	ssettag $0x1  }
0x1: {  	s0 =	rddreg [dreg:$0x0]  }
0x2: {  	s1 =	rddreg [dreg:$0x1]  }
0x3: {  	s3 =	srdreg.scid;
	s4 =	stileid.u32;
	s2 =	simm.s32 $0x0  }
0x4: {  	s22 =	simm.s32 $0x80;
	s29 =	simm.s32 $0x1;
	s31 =	simm.s32 $0x16400  }
0x5: {  	s24 =	simm.s32 $0x6400;
	s3 =	sand.u32 $0x1, s3;
	s4 =	sshll.u32 s4, $0x1  }
0x6: {  	[smem:$0x7FF] =	sst s2;
	s5 =	sadd.s32 $0xA00, s0;
	s6 =	sor.u32 s3, s4  }
0x7: {  	_ =	strace $0x80000047;
	s7 =	ssub.s32 $0x2, s3;
	s3 =	smul.u32 $0x6400, s6  }
0x8: {  	s4 =	sadd.s32 $0xF42E00, s0;
	s8 =	sshrl.u32 s7, $0x1;
	s9 =	smul.u32 $0x64000, s6  }
0x9: {  	s30 =	smul.u32 $0x320000, s6;
	s6 =	simm.s32 $0x0;
	s26 =	ssub.s32 s7, s8  }
0xa: {  	s28 =	sshrl.u32 s3, $0x3;
	s7 =	sadd.s32 s5, s9;
	s12 =	sor.u32 $0x80, s3  }
0xb: {  	s13 =	sor.u32 $0x100, s3;
	s14 =	sor.u32 $0x180, s3;
	s0 =	smax.u32 s26, $0x1  }
0xc: {  	s1 =	sadd.s32 s1, s28;
	s8 =	sadd.s32 $0x800, s7;
	s9 =	sadd.s32 $0x1000, s7  }
0xd: {  	s10 =	sadd.s32 $0x1800, s7;
	[dreg:$0x3] =	wrdreg s1;
	s1 =	sshrl.u32 s30, $0x3  }
0xe: {  	s11 =	sadd.s32 $0x2000, s7;
	[dreg:$0x4] =	wrdreg s0;
	s1 =	sadd.s32 s5, s1  }
0xf: {  	s0 =	simm.s32 $0x2;
	s15 =	sadd.s32 $0x61800, s1;
	s16 =	sadd.s32 $0x62000, s1  }
0x10: {  	s17 =	sadd.s32 $0x62800, s1;
	s18 =	sadd.s32 $0x63000, s1;
	s19 =	sadd.s32 $0x63800, s1  }
.LBB2_1:
0x11: {  	[dreg:$0x5] =	wrdreg s6  }
0x12: {  	s1 =	rddreg [dreg:$0x3];
	s21 =	simm.s32 $0x3  }
0x13: {  	[tilespmem:s2], [sflag:$0x3] =	stream.linear.gather [hbm4b:s1+s2], $0x6400, $0x38;
	[tilespmem:$0x1A400] =	vst v63  }
0x14: {  	_ =	swait.ge [sflag:s21], $0x6400  }
0x15: {  	[sflag:s21] =	ssyncset.done $0x0  }
0x16: {  	[sflag:s21] =	ssyncadd.s32 $0xFFFF9C00  }
0x17: {  	[tilespmem:s24], [sflag:$0x1] =	stream.indirect.gather [hbm4b:s4+s22], $0x80, s2, s22, $0xb8;
	[tilespmem:$0x1A400] =	vst v63  }
0x18: {  	s23 =	simm.s32 $0xA400  }
0x19: {  	[tilespmem:s23], [sflag:$0x1] =	stream.indirect.gather [hbm4b:s4+s22], $0x80, s22, s22, $0xb8;
	[tilespmem:$0x1A400] =	vst v63  }
0x1a: {  	s25 =	simm.s32 $0x100;
	s26 =	simm.s32 $0xE400  }
0x1b: {  	[tilespmem:s26], [sflag:$0x1] =	stream.indirect.gather [hbm4b:s4+s22], $0x80, s25, s22, $0xb8;
	[tilespmem:$0x1A400] =	vst v63  }
0x1c: {  	s28 =	simm.s32 $0x180;
	s30 =	simm.s32 $0x12400  }
0x1d: {  	[tilespmem:s30], [sflag:$0x1] =	stream.indirect.gather [hbm4b:s4+s22], $0x80, s28, s22, $0xb8;
	[tilespmem:$0x1A400] =	vst v63  }
0x1e: {  	_ =	swait.ge [sflag:s29], $0x4000  }
0x1f: {  	s6 =	simm.s32 $0x6480;
	s20 =	simm.s32 $0x6400;
	[sflag:s29] =	ssyncset.done $0x0  }
0x20: {  	s1 =	simm.s32 $0x10;
	s21 =	sadd.s32 $0x0, s7;
	[sflag:s29] =	ssyncadd.s32 $0xFFFFC000  }
.LBB2_2:
0x21: {  	[hbm4b:s21+s2] =	stream.linear.scatter [tilespmem:s20], [sflag:$0x2], $0x40, $0x38;
	[tilespmem:$0x1A400] =	vst v63  }
0x22: {  	s21 =	smov.u32 s1;
	s20 =	smov.u32 s6;
	p0 =	sne.s32 s1, $0x7F0  }
.Ltmp0:
0x23: {  	s1 =	sadd.s32 $0x10, s1;
	(pc) =	sbr.rel @p0 .LBB2_2-.Ltmp0, $2  }
0x24: {  	_ =	sdelay $0x2  }
0x25: {  	s6 =	sadd.s32 $0x80, s6;
	s21 =	sadd.s32 s21, s7  }
0x26: {  	[hbm4b:s21+s2] =	stream.linear.scatter [tilespmem:s20], [sflag:$0x2], $0x40, $0x38;
	[tilespmem:$0x1A400] =	vst v63  }
0x27: {  	s1 =	simm.s32 $0x200  }
0x28: {  	[tilespmem:s31], [sflag:$0x1] =	stream.indirect.gather [hbm4b:s4+s22], $0x80, s1, s22, $0xb8;
	[tilespmem:$0x1A400] =	vst v63  }
0x29: {  	_ =	swait.ge [sflag:s29], $0x4000  }
0x2a: {  	s6 =	simm.s32 $0x10;
	s21 =	sadd.s32 $0x0, s8;
	[sflag:s29] =	ssyncset.done $0x0  }
0x2b: {  	s20 =	simm.s32 $0xA480;
	s1 =	simm.s32 $0xA400;
	[sflag:s29] =	ssyncadd.s32 $0xFFFFC000  }
.LBB2_4:
0x2c: {  	[hbm4b:s21+s2] =	stream.linear.scatter [tilespmem:s1], [sflag:$0x2], $0x40, $0x38;
	[tilespmem:$0x1A400] =	vst v63  }
0x2d: {  	s21 =	smov.u32 s6;
	s1 =	smov.u32 s20;
	p0 =	sne.s32 s6, $0x7F0  }
.Ltmp1:
0x2e: {  	s6 =	sadd.s32 $0x10, s6;
	(pc) =	sbr.rel @p0 .LBB2_4-.Ltmp1, $2  }
0x2f: {  	_ =	sdelay $0x2  }
0x30: {  	s20 =	sadd.s32 $0x80, s20;
	s21 =	sadd.s32 s21, s8  }
0x31: {  	[hbm4b:s21+s2] =	stream.linear.scatter [tilespmem:s1], [sflag:$0x2], $0x40, $0x38;
	[tilespmem:$0x1A400] =	vst v63  }
0x32: {  	_ =	swait.ge [sflag:s0], $0x2000  }
0x33: {  	[sflag:s0] =	ssyncset.done $0x0  }
0x34: {  	s30 =	simm.s32 $0x280;
	[sflag:s0] =	ssyncadd.s32 $0xFFFFE000  }
0x35: {  	[tilespmem:s24], [sflag:$0x1] =	stream.indirect.gather [hbm4b:s4+s22], $0x80, s30, s22, $0xb8;
	[tilespmem:$0x1A400] =	vst v63  }
0x36: {  	_ =	swait.ge [sflag:s29], $0x4000  }
0x37: {  	s1 =	simm.s32 $0xE400;
	s6 =	simm.s32 $0x10;
	[sflag:s29] =	ssyncset.done $0x0  }
0x38: {  	s21 =	sadd.s32 $0x0, s9;
	s20 =	simm.s32 $0xE480;
	[sflag:s29] =	ssyncadd.s32 $0xFFFFC000  }
.LBB2_6:
0x39: {  	[hbm4b:s21+s2] =	stream.linear.scatter [tilespmem:s1], [sflag:$0x2], $0x40, $0x38;
	[tilespmem:$0x1A400] =	vst v63  }
0x3a: {  	s21 =	smov.u32 s6;
	s1 =	smov.u32 s20;
	p0 =	sne.s32 s6, $0x7F0  }
.Ltmp2:
0x3b: {  	s6 =	sadd.s32 $0x10, s6;
	(pc) =	sbr.rel @p0 .LBB2_6-.Ltmp2, $2  }
0x3c: {  	_ =	sdelay $0x2  }
0x3d: {  	s20 =	sadd.s32 $0x80, s20;
	s21 =	sadd.s32 s21, s9  }
0x3e: {  	[hbm4b:s21+s2] =	stream.linear.scatter [tilespmem:s1], [sflag:$0x2], $0x40, $0x38;
	[tilespmem:$0x1A400] =	vst v63  }
0x3f: {  	_ =	swait.ge [sflag:s0], $0x2000  }
0x40: {  	[sflag:s0] =	ssyncset.done $0x0  }
0x41: {  	s30 =	simm.s32 $0xA400;
	s6 =	simm.s32 $0x300;
	[sflag:s0] =	ssyncadd.s32 $0xFFFFE000  }
0x42: {  	[tilespmem:s30], [sflag:$0x1] =	stream.indirect.gather [hbm4b:s4+s22], $0x80, s6, s22, $0xb8;
	[tilespmem:$0x1A400] =	vst v63  }
0x43: {  	_ =	swait.ge [sflag:s29], $0x4000  }
0x44: {  	s1 =	simm.s32 $0x12400;
	s21 =	sadd.s32 $0x0, s10;
	[sflag:s29] =	ssyncset.done $0x0  }
0x45: {  	s20 =	simm.s32 $0x12480;
	s6 =	simm.s32 $0x10;
	[sflag:s29] =	ssyncadd.s32 $0xFFFFC000  }
.LBB2_8:
0x46: {  	[hbm4b:s21+s2] =	stream.linear.scatter [tilespmem:s1], [sflag:$0x2], $0x40, $0x38;
	[tilespmem:$0x1A400] =	vst v63  }
0x47: {  	s21 =	smov.u32 s6;
	s1 =	smov.u32 s20;
	p0 =	sne.s32 s6, $0x7F0  }
.Ltmp3:
0x48: {  	s6 =	sadd.s32 $0x10, s6;
	(pc) =	sbr.rel @p0 .LBB2_8-.Ltmp3, $2  }
0x49: {  	_ =	sdelay $0x2  }
0x4a: {  	s20 =	sadd.s32 $0x80, s20;
	s21 =	sadd.s32 s21, s10  }
0x4b: {  	[hbm4b:s21+s2] =	stream.linear.scatter [tilespmem:s1], [sflag:$0x2], $0x40, $0x38;
	[tilespmem:$0x1A400] =	vst v63  }
0x4c: {  	_ =	swait.ge [sflag:s0], $0x2000  }
0x4d: {  	[sflag:s0] =	ssyncset.done $0x0  }
0x4e: {  	s30 =	simm.s32 $0xE400;
	s6 =	simm.s32 $0x380;
	[sflag:s0] =	ssyncadd.s32 $0xFFFFE000  }
0x4f: {  	[tilespmem:s30], [sflag:$0x1] =	stream.indirect.gather [hbm4b:s4+s22], $0x80, s6, s22, $0xb8;
	[tilespmem:$0x1A400] =	vst v63  }
0x50: {  	_ =	swait.ge [sflag:s29], $0x4000  }
0x51: {  	s1 =	simm.s32 $0x16400;
	s21 =	sadd.s32 $0x0, s11;
	[sflag:s29] =	ssyncset.done $0x0  }
0x52: {  	s20 =	simm.s32 $0x16480;
	s6 =	simm.s32 $0x10;
	[sflag:s29] =	ssyncadd.s32 $0xFFFFC000  }
.LBB2_10:
0x53: {  	[hbm4b:s21+s2] =	stream.linear.scatter [tilespmem:s1], [sflag:$0x2], $0x40, $0x38;
	[tilespmem:$0x1A400] =	vst v63  }
0x54: {  	s21 =	smov.u32 s6;
	s1 =	smov.u32 s20;
	p0 =	sne.s32 s6, $0x7F0  }
.Ltmp4:
0x55: {  	s6 =	sadd.s32 $0x10, s6;
	(pc) =	sbr.rel @p0 .LBB2_10-.Ltmp4, $2  }
0x56: {  	_ =	sdelay $0x2  }
0x57: {  	s20 =	sadd.s32 $0x80, s20;
	s21 =	sadd.s32 s21, s11  }
0x58: {  	[hbm4b:s21+s2] =	stream.linear.scatter [tilespmem:s1], [sflag:$0x2], $0x40, $0x38;
	[tilespmem:$0x1A400] =	vst v63  }
0x59: {  	_ =	swait.ge [sflag:s0], $0x2000  }
0x5a: {  	s30 =	simm.s32 $0x12400;
	[sflag:s0] =	ssyncset.done $0x0  }
0x5b: {  	s6 =	simm.s32 $0x400;
	s1 =	simm.s32 $0x1;
	[sflag:s0] =	ssyncadd.s32 $0xFFFFE000  }
0x5c: {  	[tilespmem:s30], [sflag:$0x1] =	stream.indirect.gather [hbm4b:s4+s22], $0x80, s6, s22, $0xb8;
	[tilespmem:$0x1A400] =	vst v63  }
.LBB2_12:
0x5d: {  	s6 =	smul.u32 $0x280, s1;
	_ =	sdelay $0x1  }
0x5e: {  	s20 =	sadd.s32 s3, s6  }
0x5f: {  	s20 =	sshll.u32 s20, $0x4  }
0x60: {  	_ =	swait.ge [sflag:s29], $0x4000;
	s21 =	simm.s32 $0x6400;
	s20 =	sand.u32 $0x1FFFF800, s20  }
0x61: {  	s26 =	simm.s32 $0x10;
	[sflag:s29] =	ssyncset.done $0x0;
	s20 =	sadd.s32 s5, s20  }
0x62: {  	s23 =	simm.s32 $0x6480;
	[sflag:s29] =	ssyncadd.s32 $0xFFFFC000;
	s25 =	sadd.s32 $0x0, s20  }
.LBB2_13:
0x63: {  	[hbm4b:s25+s2] =	stream.linear.scatter [tilespmem:s21], [sflag:$0x2], $0x40, $0x38;
	[tilespmem:$0x1A400] =	vst v63  }
0x64: {  	s25 =	smov.u32 s26;
	s21 =	smov.u32 s23;
	p0 =	sne.s32 s26, $0x7F0  }
.Ltmp5:
0x65: {  	s26 =	sadd.s32 $0x10, s26;
	(pc) =	sbr.rel @p0 .LBB2_13-.Ltmp5, $2  }
0x66: {  	_ =	sdelay $0x2  }
0x67: {  	s23 =	sadd.s32 $0x80, s23;
	s25 =	sadd.s32 s25, s20  }
0x68: {  	[hbm4b:s25+s2] =	stream.linear.scatter [tilespmem:s21], [sflag:$0x2], $0x40, $0x38;
	[tilespmem:$0x1A400] =	vst v63  }
0x69: {  	_ =	swait.ge [sflag:s0], $0x2000  }
0x6a: {  	s20 =	sadd.s32 s6, s12;
	[sflag:s0] =	ssyncset.done $0x0  }
0x6b: {  	s26 =	sadd.s32 $0x200, s6;
	s20 =	sshll.u32 s20, $0x4;
	[sflag:s0] =	ssyncadd.s32 $0xFFFFE000  }
0x6c: {  	[tilespmem:s31], [sflag:$0x1] =	stream.indirect.gather [hbm4b:s4+s22], $0x80, s26, s22, $0xb8;
	[tilespmem:$0x1A400] =	vst v63  }
0x6d: {  	s21 =	simm.s32 $0xA400;
	s20 =	sand.u32 $0x1FFFF800, s20;
	_ =	swait.ge [sflag:s29], $0x4000  }
0x6e: {  	s30 =	simm.s32 $0x10;
	s20 =	sadd.s32 s5, s20;
	[sflag:s29] =	ssyncset.done $0x0  }
0x6f: {  	s23 =	simm.s32 $0xA480;
	s25 =	sadd.s32 $0x0, s20;
	[sflag:s29] =	ssyncadd.s32 $0xFFFFC000  }
.LBB2_15:
0x70: {  	[hbm4b:s25+s2] =	stream.linear.scatter [tilespmem:s21], [sflag:$0x2], $0x40, $0x38;
	[tilespmem:$0x1A400] =	vst v63  }
0x71: {  	s25 =	smov.u32 s30;
	s21 =	smov.u32 s23;
	p0 =	sne.s32 s30, $0x7F0  }
.Ltmp6:
0x72: {  	s30 =	sadd.s32 $0x10, s30;
	(pc) =	sbr.rel @p0 .LBB2_15-.Ltmp6, $2  }
0x73: {  	_ =	sdelay $0x2  }
0x74: {  	s23 =	sadd.s32 $0x80, s23;
	s25 =	sadd.s32 s25, s20  }
0x75: {  	[hbm4b:s25+s2] =	stream.linear.scatter [tilespmem:s21], [sflag:$0x2], $0x40, $0x38;
	[tilespmem:$0x1A400] =	vst v63  }
0x76: {  	s20 =	smul.u32 $0xA00, s1  }
0x77: {  	_ =	swait.ge [sflag:s0], $0x2000  }
0x78: {  	s25 =	sadd.s32 s6, s13;
	[sflag:s0] =	ssyncset.done $0x0;
	s20 =	sshra.s32 s20, $0x2  }
0x79: {  	s21 =	sshll.u32 s25, $0x4;
	[sflag:s0] =	ssyncadd.s32 $0xFFFFE000;
	s23 =	sadd.s32 $0x280, s20  }
0x7a: {  	[tilespmem:s24], [sflag:$0x1] =	stream.indirect.gather [hbm4b:s4+s22], $0x80, s23, s22, $0xb8;
	[tilespmem:$0x1A400] =	vst v63  }
0x7b: {  	s30 =	simm.s32 $0xE400;
	s21 =	sand.u32 $0x1FFFF800, s21;
	_ =	swait.ge [sflag:s29], $0x4000  }
0x7c: {  	s25 =	simm.s32 $0xE480;
	s21 =	sadd.s32 s5, s21;
	[sflag:s29] =	ssyncset.done $0x0  }
0x7d: {  	s23 =	simm.s32 $0x10;
	s28 =	sadd.s32 $0x0, s21;
	[sflag:s29] =	ssyncadd.s32 $0xFFFFC000  }
.LBB2_17:
0x7e: {  	[hbm4b:s28+s2] =	stream.linear.scatter [tilespmem:s30], [sflag:$0x2], $0x40, $0x38;
	[tilespmem:$0x1A400] =	vst v63  }
0x7f: {  	s28 =	smov.u32 s23;
	s30 =	smov.u32 s25;
	p0 =	sne.s32 s23, $0x7F0  }
.Ltmp7:
0x80: {  	s23 =	sadd.s32 $0x10, s23;
	(pc) =	sbr.rel @p0 .LBB2_17-.Ltmp7, $2  }
0x81: {  	_ =	sdelay $0x2  }
0x82: {  	s25 =	sadd.s32 $0x80, s25;
	s28 =	sadd.s32 s28, s21  }
0x83: {  	[hbm4b:s28+s2] =	stream.linear.scatter [tilespmem:s30], [sflag:$0x2], $0x40, $0x38;
	[tilespmem:$0x1A400] =	vst v63  }
0x84: {  	_ =	swait.ge [sflag:s0], $0x2000  }
0x85: {  	s21 =	sadd.s32 $0x300, s20;
	s6 =	sadd.s32 s6, s14;
	[sflag:s0] =	ssyncset.done $0x0  }
0x86: {  	s23 =	simm.s32 $0xA400;
	s6 =	sshll.u32 s6, $0x4;
	[sflag:s0] =	ssyncadd.s32 $0xFFFFE000  }
0x87: {  	[tilespmem:s23], [sflag:$0x1] =	stream.indirect.gather [hbm4b:s4+s22], $0x80, s21, s22, $0xb8;
	[tilespmem:$0x1A400] =	vst v63  }
0x88: {  	s25 =	simm.s32 $0x12480;
	s6 =	sand.u32 $0x1FFFF800, s6;
	_ =	swait.ge [sflag:s29], $0x4000  }
0x89: {  	s6 =	sadd.s32 s5, s6;
	s21 =	simm.s32 $0x12400;
	[sflag:s29] =	ssyncset.done $0x0  }
0x8a: {  	s23 =	simm.s32 $0x10;
	s28 =	sadd.s32 $0x0, s6;
	[sflag:s29] =	ssyncadd.s32 $0xFFFFC000  }
.LBB2_19:
0x8b: {  	[hbm4b:s28+s2] =	stream.linear.scatter [tilespmem:s21], [sflag:$0x2], $0x40, $0x38;
	[tilespmem:$0x1A400] =	vst v63  }
0x8c: {  	s28 =	smov.u32 s23;
	s21 =	smov.u32 s25;
	p0 =	sne.s32 s23, $0x7F0  }
.Ltmp8:
0x8d: {  	s23 =	sadd.s32 $0x10, s23;
	(pc) =	sbr.rel @p0 .LBB2_19-.Ltmp8, $2  }
0x8e: {  	_ =	sdelay $0x2  }
0x8f: {  	s25 =	sadd.s32 $0x80, s25;
	s28 =	sadd.s32 s28, s6  }
0x90: {  	[hbm4b:s28+s2] =	stream.linear.scatter [tilespmem:s21], [sflag:$0x2], $0x40, $0x38;
	[tilespmem:$0x1A400] =	vst v63  }
0x91: {  	_ =	swait.ge [sflag:s0], $0x2000  }
0x92: {  	s6 =	sadd.s32 $0x380, s20;
	[sflag:s0] =	ssyncset.done $0x0  }
0x93: {  	s28 =	simm.s32 $0xE400;
	s30 =	sadd.s32 s3, s26;
	[sflag:s0] =	ssyncadd.s32 $0xFFFFE000  }
0x94: {  	[tilespmem:s28], [sflag:$0x1] =	stream.indirect.gather [hbm4b:s4+s22], $0x80, s6, s22, $0xb8;
	[tilespmem:$0x1A400] =	vst v63  }
0x95: {  	s6 =	sshll.u32 s30, $0x4  }
0x96: {  	s21 =	simm.s32 $0x16400;
	_ =	swait.ge [sflag:s29], $0x4000;
	s6 =	sand.u32 $0x1FFFF800, s6  }
0x97: {  	s23 =	simm.s32 $0x10;
	[sflag:s29] =	ssyncset.done $0x0;
	s6 =	sadd.s32 s5, s6  }
0x98: {  	s25 =	simm.s32 $0x16480;
	[sflag:s29] =	ssyncadd.s32 $0xFFFFC000;
	s26 =	sadd.s32 $0x0, s6  }
.LBB2_21:
0x99: {  	[hbm4b:s26+s2] =	stream.linear.scatter [tilespmem:s21], [sflag:$0x2], $0x40, $0x38;
	[tilespmem:$0x1A400] =	vst v63  }
0x9a: {  	s26 =	smov.u32 s23;
	s21 =	smov.u32 s25;
	p0 =	sne.s32 s23, $0x7F0  }
.Ltmp9:
0x9b: {  	s23 =	sadd.s32 $0x10, s23;
	(pc) =	sbr.rel @p0 .LBB2_21-.Ltmp9, $2  }
0x9c: {  	_ =	sdelay $0x2  }
0x9d: {  	s25 =	sadd.s32 $0x80, s25;
	s26 =	sadd.s32 s26, s6  }
0x9e: {  	[hbm4b:s26+s2] =	stream.linear.scatter [tilespmem:s21], [sflag:$0x2], $0x40, $0x38;
	[tilespmem:$0x1A400] =	vst v63  }
0x9f: {  	s1 =	sadd.s32 $0x1, s1  }
0xa0: {  	p0 =	sne.s32 s1, $0x27  }
.Ltmp10:
0xa1: {  	_ = 	snop;
	(pc) =	sbr.rel @p0 .LBB2_12-.Ltmp10, $4  }
0xa2: {  	_ =	swait.ge [sflag:s0], $0x2000  }
0xa3: {  	[sflag:s0] =	ssyncset.done $0x0  }
0xa4: {  	s6 =	sadd.s32 $0x400, s20;
	s30 =	simm.s32 $0x12400;
	[sflag:s0] =	ssyncadd.s32 $0xFFFFE000  }
0xa5: {  	[tilespmem:s30], [sflag:$0x1] =	stream.indirect.gather [hbm4b:s4+s22], $0x80, s6, s22, $0xb8;
	[tilespmem:$0x1A400] =	vst v63  }
0xa6: {  	_ =	swait.ge [sflag:s29], $0x4000  }
0xa7: {  	s1 =	simm.s32 $0x6400;
	s6 =	simm.s32 $0x10;
	[sflag:s29] =	ssyncset.done $0x0  }
0xa8: {  	s21 =	sadd.s32 $0x0, s15;
	s20 =	simm.s32 $0x6480;
	[sflag:s29] =	ssyncadd.s32 $0xFFFFC000  }
.LBB2_24:
0xa9: {  	[hbm4b:s21+s2] =	stream.linear.scatter [tilespmem:s1], [sflag:$0x2], $0x40, $0x38;
	[tilespmem:$0x1A400] =	vst v63  }
0xaa: {  	s21 =	smov.u32 s6;
	s1 =	smov.u32 s20;
	p0 =	sne.s32 s6, $0x7F0  }
.Ltmp11:
0xab: {  	s6 =	sadd.s32 $0x10, s6;
	(pc) =	sbr.rel @p0 .LBB2_24-.Ltmp11, $2  }
0xac: {  	_ =	sdelay $0x2  }
0xad: {  	s20 =	sadd.s32 $0x80, s20;
	s21 =	sadd.s32 s21, s15  }
0xae: {  	[hbm4b:s21+s2] =	stream.linear.scatter [tilespmem:s1], [sflag:$0x2], $0x40, $0x38;
	[tilespmem:$0x1A400] =	vst v63  }
0xaf: {  	_ =	swait.ge [sflag:s0], $0x2000  }
0xb0: {  	[sflag:s0] =	ssyncset.done $0x0  }
0xb1: {  	s30 =	simm.s32 $0x6380;
	[sflag:s0] =	ssyncadd.s32 $0xFFFFE000  }
0xb2: {  	[tilespmem:s31], [sflag:$0x1] =	stream.indirect.gather [hbm4b:s4+s22], $0x80, s30, s22, $0xb8;
	[tilespmem:$0x1A400] =	vst v63  }
0xb3: {  	_ =	swait.ge [sflag:s29], $0x4000  }
0xb4: {  	s1 =	simm.s32 $0xA400;
	s6 =	simm.s32 $0x10;
	[sflag:s29] =	ssyncset.done $0x0  }
0xb5: {  	s21 =	sadd.s32 $0x0, s16;
	s20 =	simm.s32 $0xA480;
	[sflag:s29] =	ssyncadd.s32 $0xFFFFC000  }
.LBB2_26:
0xb6: {  	[hbm4b:s21+s2] =	stream.linear.scatter [tilespmem:s1], [sflag:$0x2], $0x40, $0x38;
	[tilespmem:$0x1A400] =	vst v63  }
0xb7: {  	s21 =	smov.u32 s6;
	s1 =	smov.u32 s20;
	p0 =	sne.s32 s6, $0x7F0  }
.Ltmp12:
0xb8: {  	s6 =	sadd.s32 $0x10, s6;
	(pc) =	sbr.rel @p0 .LBB2_26-.Ltmp12, $2  }
0xb9: {  	_ =	sdelay $0x2  }
0xba: {  	s20 =	sadd.s32 $0x80, s20;
	s21 =	sadd.s32 s21, s16  }
0xbb: {  	[hbm4b:s21+s2] =	stream.linear.scatter [tilespmem:s1], [sflag:$0x2], $0x40, $0x38;
	[tilespmem:$0x1A400] =	vst v63  }
0xbc: {  	_ =	swait.ge [sflag:s29], $0x4000  }
0xbd: {  	s1 =	simm.s32 $0xE400;
	s6 =	simm.s32 $0x10;
	[sflag:s29] =	ssyncset.done $0x0  }
0xbe: {  	s21 =	sadd.s32 $0x0, s17;
	s20 =	simm.s32 $0xE480;
	[sflag:s29] =	ssyncadd.s32 $0xFFFFC000  }
.LBB2_28:
0xbf: {  	[hbm4b:s21+s2] =	stream.linear.scatter [tilespmem:s1], [sflag:$0x2], $0x40, $0x38;
	[tilespmem:$0x1A400] =	vst v63  }
0xc0: {  	s21 =	smov.u32 s6;
	s1 =	smov.u32 s20;
	p0 =	sne.s32 s6, $0x7F0  }
.Ltmp13:
0xc1: {  	s6 =	sadd.s32 $0x10, s6;
	(pc) =	sbr.rel @p0 .LBB2_28-.Ltmp13, $2  }
0xc2: {  	_ =	sdelay $0x2  }
0xc3: {  	s20 =	sadd.s32 $0x80, s20;
	s21 =	sadd.s32 s21, s17  }
0xc4: {  	[hbm4b:s21+s2] =	stream.linear.scatter [tilespmem:s1], [sflag:$0x2], $0x40, $0x38;
	[tilespmem:$0x1A400] =	vst v63  }
0xc5: {  	_ =	swait.ge [sflag:s29], $0x4000  }
0xc6: {  	s1 =	simm.s32 $0x12400;
	s6 =	simm.s32 $0x10;
	[sflag:s29] =	ssyncset.done $0x0  }
0xc7: {  	s21 =	sadd.s32 $0x0, s18;
	s20 =	simm.s32 $0x12480;
	[sflag:s29] =	ssyncadd.s32 $0xFFFFC000  }
.LBB2_30:
0xc8: {  	[hbm4b:s21+s2] =	stream.linear.scatter [tilespmem:s1], [sflag:$0x2], $0x40, $0x38;
	[tilespmem:$0x1A400] =	vst v63  }
0xc9: {  	s21 =	smov.u32 s6;
	s1 =	smov.u32 s20;
	p0 =	sne.s32 s6, $0x7F0  }
.Ltmp14:
0xca: {  	s6 =	sadd.s32 $0x10, s6;
	(pc) =	sbr.rel @p0 .LBB2_30-.Ltmp14, $2  }
0xcb: {  	_ =	sdelay $0x2  }
0xcc: {  	s20 =	sadd.s32 $0x80, s20;
	s21 =	sadd.s32 s21, s18  }
0xcd: {  	[hbm4b:s21+s2] =	stream.linear.scatter [tilespmem:s1], [sflag:$0x2], $0x40, $0x38;
	[tilespmem:$0x1A400] =	vst v63  }
0xce: {  	_ =	swait.ge [sflag:s29], $0x4000  }
0xcf: {  	s1 =	simm.s32 $0x16400;
	s6 =	simm.s32 $0x10;
	[sflag:s29] =	ssyncset.done $0x0  }
0xd0: {  	s21 =	sadd.s32 $0x0, s19;
	s20 =	simm.s32 $0x16480;
	[sflag:s29] =	ssyncadd.s32 $0xFFFFC000  }
.LBB2_32:
0xd1: {  	[hbm4b:s21+s2] =	stream.linear.scatter [tilespmem:s1], [sflag:$0x2], $0x40, $0x38;
	[tilespmem:$0x1A400] =	vst v63  }
0xd2: {  	s21 =	smov.u32 s6;
	s1 =	smov.u32 s20;
	p0 =	sne.s32 s6, $0x7F0  }
.Ltmp15:
0xd3: {  	s6 =	sadd.s32 $0x10, s6;
	(pc) =	sbr.rel @p0 .LBB2_32-.Ltmp15, $2  }
0xd4: {  	_ =	sdelay $0x2  }
0xd5: {  	s20 =	sadd.s32 $0x80, s20;
	s21 =	sadd.s32 s21, s19  }
0xd6: {  	[hbm4b:s21+s2] =	stream.linear.scatter [tilespmem:s1], [sflag:$0x2], $0x40, $0x38;
	[tilespmem:$0x1A400] =	vst v63  }
0xd7: {  	_ =	swait.ge [sflag:s0], $0x2000  }
0xd8: {  	[sflag:s0] =	ssyncset.done $0x0  }
0xd9: {  	[sflag:s0] =	ssyncadd.s32 $0xFFFFE000  }
0xda: {  	_ =	swait.ge [sflag:s0], $0x2000  }
0xdb: {  	[sflag:s0] =	ssyncset.done $0x0  }
0xdc: {  	[sflag:s0] =	ssyncadd.s32 $0xFFFFE000  }
0xdd: {  	_ =	swait.ge [sflag:s0], $0x2000  }
0xde: {  	[sflag:s0] =	ssyncset.done $0x0  }
0xdf: {  	[sflag:s0] =	ssyncadd.s32 $0xFFFFE000  }
0xe0: {  	_ =	swait.ge [sflag:s0], $0x2000  }
0xe1: {  	[sflag:s0] =	ssyncset.done $0x0  }
0xe2: {  	[sflag:s0] =	ssyncadd.s32 $0xFFFFE000  }
0xe3: {  	_ =	swait.ge [sflag:s0], $0x2000  }
0xe4: {  	s6 =	rddreg [dreg:$0x5]  }
0xe5: {  	s30 =	rddreg [dreg:$0x4];
	s6 =	sadd.s32 $0x1, s6  }
0xe6: {  	p0 =	sne.s32 s6, s30  }
.Ltmp16:
0xe7: {  	_ = 	snop;
	(pc) =	sbr.rel @p0 .LBB2_1-.Ltmp16, $3  }
0xe8: {  	_ =	sdelay $0x1  }
0xe9: {  	[sflag:s0] =	ssyncset.done $0x0  }
0xea: {  	[sflag:s0] =	ssyncadd.s32 $0xFFFFE000  }
0xeb: {  	_ =	sfence.sel $0x180000  }
0xec: {  	[bflag:$0x0] =	sbarrier.arrive $0xFFFF  }
0xed: {  	_ =	strace $0x90000047  }
0xee: {  	s0 =	stileid.u32;
	[bflag:$0x2] =	sbarrier.arrive $0xFFFF  }
0xef: {  	p0 =	sne.s32 s0, $0x0;
	s0 =	rddreg [dreg:$0x2]  }
0xf0: {  	s0 =	sadd.s32 @!p0 $0x100000, s0  }
0xf1: {  	[sflag:s0] =	ssyncadd.tile.s32 @!p0 $0x1;
	_ =	shalt  }
.Lfunc_end2:
_tile_overlayer_lowered:
.L_overlay_start_2:
0xf2: {  	(tag) =	ssettag $0x2  }
0xf3: {  	s0 =	rddreg [dreg:$0x0];
	s2 =	stileid.u32  }
0xf4: {  	s1 =	rddreg [dreg:$0x1];
	p0 =	sne.s32 s2, $0x0  }
0xf5: {  	s3 =	rddreg [dreg:$0x2];
	[bflag:$0x3] =	sbarrier.arrive $0xFFFF;
	s2 =	simm.s32 @!p0 $0x1C03  }
0xf6: {  	[timem:s3], [sflag:s2] =	dma.local @!p0 [hbm:s0], s1  }
0xf7: {  	s0 =	simm.s32 @!p0 $0x3  }
0xf8: {  	_ =	swait.ge @!p0 [sflag:s0], s1  }
0xf9: {  	s1 =	ssub.s32 @!p0 $0x0, s1;
	[sflag:s0] =	ssyncset.done @!p0 $0x0  }
0xfa: {  	[sflag:s0] =	ssyncadd.s32 @!p0 s1  }
0xfb: {  	[bflag:$0x3] =	sbarrier.arrive $0xFFFF  }
0xfc: {  	_ =	shalt  }

// kernel: sparse-core-data-format-call.cloned.1.call-start
scs
called_computation_lowered:
.L_overlay_start_0:
0x0: {  	s2 =	sld [smem:$0x3FD9]  }
0x1: {  	s3 =	sld [smem:$0x3FFE];
	_ =	sdelay $0x1  }
0x2: {  	s1 =	srdreg.scid  }
0x3: {  	s0 =	sand.u32 $0x1, s1  }
0x4: {  	s18 =	sshll.u32 s0, $0xA;
	s2 =	sadd.s32 s3, s2  }
0x5: {  	s2 =	sadd.s32 s2, s18  }
0x6: {  	[smem:$0x3FC6] =	sst s2  }
0x7: {  	_ = 	snop  }
0x8: {  	s2 =	sld [smem:$0x3FD0];
	(tm) =	ssettm $0x1  }
0x9: {  	s19 =	sld [smem:$0x3FFB];
	_ =	sdelay $0x3  }
0xa: {  	_ =	strace s19  }
0xb: {  	s3 =	sld [smem:$0x3FFC];
	_ =	sdelay $0x3  }
0xc: {  	_ =	strace s3  }
0xd: {  	s3 =	sld [smem:$0x3FFD];
	_ =	sdelay $0x3  }
0xe: {  	_ =	strace s3  }
0xf: {  	_ =	strace $0x8FFFFFFF  }
0x10: {  	s20 =	sld [smem:$0x3FDB];
	_ =	sdelay $0x1  }
0x11: {  	s4 =	simm.s32 $_scs_section_size  }
0x12: {  	s5 =	simm.s32 $_size__tile_overlayer_lowered;
	s6 =	simm.s32 $_tile_overlayer_lowered  }
0x13: {  	s23 =	simm.s32 $0x1BFF;
	s22 =	sshll.u32 s6, $0x1;
	s3 =	sadd.s32 s4, s20  }
0x14: {  	s7 =	simm.s32 $0x0;
	s21 =	sshll.u32 s5, $0x1;
	s5 =	sadd.s32 s22, s3  }
0x15: {  	[timem:s7], [sflag:s23] =	dma.local [hbm:s5], s21  }
0x16: {  	_ =	swait.ge [sflag:s23], s21  }
0x17: {  	s4 =	ssub.s32 $0x0, s21;
	[sflag:s23] =	ssyncset.done $0x0  }
0x18: {  	[sflag:s23] =	ssyncadd.s32 s4;
	_ =	sdelay $0x1  }
0x19: {  	s24 =	simm.s32 $0x1B8B  }
0x1a: {  	_ =	swait.ge [sflag:s24], $0x1  }
0x1b: {  	[sflag:s24] =	ssyncset.done $0x0  }
0x1c: {  	s26 =	simm.s32 $0x1B8E;
	s25 =	sld [smem:$0x3FFE];
	[sflag:s24] =	ssyncadd.s32 $0xFFFFFFFF  }
0x1d: {  	s27 =	simm.s32 $execute0_lowered;
	[smem:$0x3FD2] =	sst s26  }
0x1e: {  	s5 =	sshll.u32 s27, $0x1;
	_ =	strace $0x80000049;
	[dreg:$0x1] =	wrdreg $0xFFFFFFFF  }
0x1f: {  	s28 =	simm.s32 $_size_execute0_lowered;
	s3 =	sadd.s32 s3, s5;
	[dreg:$0x0] =	wrdreg $0x0  }
0x20: {  	s5 =	sshll.u32 s28, $0x1;
	[dreg:$0x2] =	wrdreg s3  }
0x21: {  	[dreg:$0x3] =	wrdreg s5  }
0x22: {  	[dreg:$0x4] =	wrdreg $0xC0  }
0x23: {  	_ =	task [dreg:s7], $0x5FFFF  }
0x24: {  	[dreg:$0x1] =	wrdreg $0xFFFFFFFF  }
0x25: {  	[dreg:$0x0] =	wrdreg $0x60  }
0x26: {  	[dreg:$0x2] =	wrdreg s25  }
0x27: {  	[dreg:$0x3] =	wrdreg s2  }
0x28: {  	[dreg:$0x4] =	wrdreg $0x9  }
0x29: {  	_ =	task.clear_ibuf [dreg:s7], $0x5FFFF;
	_ =	strace $0x90000049  }
0x2a: {  	s29 =	simm.s32 $0x9;
	_ =	strace $0x8000004B  }
0x2b: {  	_ =	swait.ge [sflag:s29], $0x1  }
0x2c: {  	[sflag:s29] =	ssyncadd.s32 $0xFFFFFFFF  }
0x2d: {  	_ =	strace $0x9000004B  }
0x2e: {  	_ =	sfence  }
0x2f: {  	s30 =	sld [smem:$0x0];
	_ =	sdelay $0x2  }
0x30: {  	s31 =	sshll.u32 s1, $0xD;
	s1 =	sshrl.u32 s1, $0x2  }
0x31: {  	s3 =	sand.u32 $0x4000, s31;
	s1 =	sadd.s32 s1, s30  }
0x32: {  	s0 =	sor.u32 s3, s0;
	s1 =	sshll.u32 s1, $0x11  }
0x33: {  	s0 =	sor.u32 s1, s0  }
0x34: {  	s0 =	sadd.s32 $0x8F2B, s0  }
0x35: {  	[sflag:s0] =	ssyncadd.remote.s32 $0x1  }
0x36: {  	_ =	sfence.sel $0xFFFF  }
0x37: {  	[dreg:$0x0] =	wrdreg $0xFFFFFFFF;
	(pc) =	sbr.abs _section_cstart, $3  }
0x38: {  	[dreg:$0x1] =	wrdreg $0xFFFFFFFF  }
0x39: {  	_ =	task.clear_ibuf [dreg:s7], $0x2FFFF;
	_ =	strace $0x9FFFFFFF  }
0x3a: {  	(tm) =	ssettm $0x7FFFFFFF  }
0x3b: {  	_ =	shalt  }
tec
execute0_lowered:
.L_overlay_start_1:
0x0: {  	(tag) =	ssettag $0x1  }
0x1: {  	s0 =	srdreg.scid  }
0x2: {  	s1 =	sshll.u32 s0, $0x4  }
0x3: {  	s0 =	stileid.u32;
	s1 =	sand.u32 $0x10, s1  }
0x4: {  	s7 =	rddreg [dreg:$0x0];
	s1 =	sor.u32 s0, s1  }
0x5: {  	s4 =	simm.s32 $0x1;
	s8 =	simm.s32 $0x2;
	s2 =	sshll.u32 s1, $0x7  }
0x6: {  	s13 =	simm.s32 $0x0;
	s9 =	simm.s32 $0x20000;
	s1 =	ssub.s32 $0x4000, s2  }
0x7: {  	s14 =	simm.s32 $0x0;
	s11 =	simm.s32 $0x0;
	s3 =	sand.u32 $0xF80, s1  }
0x8: {  	s12 =	simm.s32 $0x0;
	s5 =	sshrl.u32 s1, $0xC;
	p0 =	sne.s32 s3, $0x0  }
.Ltmp0:
0x9: {  	s1 =	rddreg [dreg:$0x2];
	s4 =	simm.s32 @!p0 $0x0;
	(pc) =	sbr.rel .LBB1_1-.Ltmp0, $4  }
0xa: {  	s6 =	sadd.s32 $0xA00, s7;
	s3 =	rddreg [dreg:$0x1];
	s5 =	sadd.s32 s4, s5  }
0xb: {  	_ =	strace $0x8000004A;
	s4 =	simm.s32 $0x1;
	s5 =	smul.u32 $0x19, s5  }
0xc: {  	s7 =	sadd.s32 $0x40A00, s7;
	s10 =	smov.u32 s2;
	[sflag:s4] =	ssyncpa.u1 $0x0  }
0xd: {  	p0 =	por $0x0, $0x0;
	[sflag:s8] =	ssyncpa.u1 $0x0;
	s8 =	sadd.s32 $0x1, s5  }
.LBB1_7:
0xe: {  	s15 =	sadd.s32 $0x1000, s10  }
0xf: {  	s13 =	sadd.s32 $0x2, s11;
	s17 =	smov.u32 s11;
	p2 =	sgt.s32 s15, $0x3FFF  }
0x10: {  	s17 =	smov.u32 @p2 s13  }
0x11: {  	s15 =	smov.u32 @p2 s2;
	p2 =	sgt.s32 s17, $0x31  }
0x12: {  	s17 =	simm.s32 @p2 $0x0;
	p2 =	sne.s32 s12, s8  }
.Ltmp1:
0x13: {  	p1 =	slt.u32 s12, $0x2;
	(pc) =	sbr.rel @!p2 .LBB1_8-.Ltmp1, $4  }
0x14: {  	s16 =	simm.s32 @!p1 $0x2  }
0x15: {  	s14 =	smov.u32 s11;
	p0 =	por !p0, !p0;
	_ =	swait.ge @!p1 [sflag:s16], $0x4000  }
0x16: {  	s13 =	smov.u32 s10;
	[sflag:s16] =	ssyncset.done @!p1 $0x0;
	s10 =	smov.u32 s15  }
0x17: {  	s12 =	sadd.s32 $0x1, s12;
	[sflag:s16] =	ssyncadd.s32 @!p1 $0xFFFFC000;
	s11 =	smov.u32 s17  }
.LBB1_1:
0x18: {  	p1 =	sge.u32 s12, s5  }
0x19: {  	s15 =	sxor.u32 @!p1 $0xFFFFFFFF, s12;
	s16 =	sshll.u32 @!p1 s11, $0x12  }
0x1a: {  	s17 =	sshll.u32 @!p1 s10, $0x4;
	s19 =	simm.s32 @!p1 $0x40;
	s20 =	simm.s32 @!p1 $0x80  }
0x1b: {  	s15 =	sshll.u32 @!p1 s15, $0xE;
	s17 =	sand.u32 @!p1 $0x3FFF0, s17;
	s18 =	sadd.s32 @!p1 s6, s16  }
0x1c: {  	s16 =	sadd.s32 @!p1 s16, s7;
	s15 =	sand.u32 @!p1 $0x4000, s15;
	s18 =	sadd.s32 @!p1 s17, s18  }
0x1d: {  	[tilespmem:s15], [sflag:$0x1] =	stream.strided.gather @!p1 [hbm4b:s18+s19], $0x2000, s20, s19, $0x38;
	[tilespmem:$0x10100] =	vst v63  }
0x1e: {  	s31 =	sadd.s32 $0xFFFFFFFF, s12;
	s16 =	sadd.s32 @!p1 s17, s16;
	s15 =	sor.u32 @!p1 $0x2000, s15  }
0x1f: {  	[tilespmem:s15], [sflag:$0x1] =	stream.strided.gather @!p1 [hbm4b:s16+s19], $0x2000, s20, s19, $0x38;
	[tilespmem:$0x10100] =	vst v63  }
0x20: {  	p1 =	sge.u32 s31, s5  }
.Ltmp2:
0x21: {  	_ = 	snop;
	(pc) =	sbr.rel @p1 .LBB1_7-.Ltmp2, $1  }
0x22: {  	_ =	sdelay $0x3  }
0x23: {  	s15 =	simm.s32 $0x1;
	s17 =	sand.u32 $0x1, s12  }
0x24: {  	_ =	swait.ge [sflag:s4], $0x4000;
	s15 =	simm.s32 @!p0 $0x0;
	s17 =	smul.u32 $0x10200, s17  }
0x25: {  	p2 =	por $0x1, $0x1;
	[sflag:s4] =	ssyncset.done $0x0;
	s16 =	smul.u32 $0x10200, s15  }
0x26: {  	s18 =	sshll.u32 s15, $0x10;
	[sflag:s4] =	ssyncadd.s32 $0xFFFFC000;
	s30 =	sshrl.u32 s17, $0x2  }
0x27: {  	s31 =	sshrl.u32 s18, $0x2;
	s18 =	simm.s32 $0x0;
	s16 =	sshrl.u32 s16, $0x2  }
0x28: {  	s15 =	sor.u32 $0x8000, s30;
	s17 =	sadd.s32 $0x20, s31;
	s16 =	sor.u32 $0x8000, s16  }
.LBB1_3:
0x29: {  	s19 =	sshll.u32 s18, $0xD  }
0x2a: {  	s19 =	sand.u32 $0x3FFFE000, s19  }
0x2b: {  	s21 =	sadd.s32 s19, s17  }
0x2c: {  	s31 =	smul.u32 $0x8100, s18;
	v3 =	vld [tilespmem:s21+$0x10]  }
0x2d: {  	v1 =	vld [tilespmem:s21+$0xFFFFFFF0]  }
0x2e: {  	s18 =	sshra.s32 s31, $0x2;
	v0 =	vld [tilespmem:s21+$0x0]  }
0x2f: {  	s18 =	sadd.s32 s18, s16;
	v2 =	vld [tilespmem:s21+$0xFFFFFFE0]  }
0x30: {  	s19 =	sadd.s32 $0x0, s18  }
0x31: {  	p1 =	por p2, p2;
	s20 =	simm.s32 $0x4;
	s21 =	sadd.s32 $0x40, s21;
	[tilespmem:s19+$0x1830 ss:$0x81] =	vst.msk $0xffff, v3  }
.LBB1_4:
0x32: {  	v3 =	vld [tilespmem:s21+$0x10];
	p2 =	sne.s32 s20, $0x1FC;
	[tilespmem:s19+$0x810 ss:$0x81] =	vst.msk $0xffff, v1;
	s22 =	smov.u32 s20;
	s20 =	sadd.s32 $0x4, s20  }
.Ltmp3:
0x33: {  	v1 =	vld [tilespmem:s21+$0xFFFFFFF0];
	[tilespmem:s19+$0x1020 ss:$0x81] =	vst.msk $0xffff, v0;
	(pc) =	sbr.rel @p2 .LBB1_4-.Ltmp3, $4  }
0x34: {  	v0 =	vld [tilespmem:s21+$0x0];
	[tilespmem:s19+$0x0 ss:$0x81] =	vst.msk $0xffff, v2  }
0x35: {  	s19 =	sshra.s32 s22, $0x2;
	v2 =	vld [tilespmem:s21+$0xFFFFFFE0]  }
0x36: {  	s19 =	sadd.s32 s19, s18  }
0x37: {  	s21 =	sadd.s32 $0x40, s21;
	[tilespmem:s19+$0x1830 ss:$0x81] =	vst.msk $0xffff, v3  }
.Ltmp4:
0x38: {  	(pc) =	sbr.rel @p1 .LBB1_3-.Ltmp4, $4  }
0x39: {  	_ = 	snop  }
0x3a: {  	[tilespmem:s19+$0x810 ss:$0x81] =	vst.msk $0xffff, v1  }
0x3b: {  	[tilespmem:s19+$0x1020 ss:$0x81] =	vst.msk $0xffff, v0  }
0x3c: {  	s18 =	simm.s32 $0x1;
	p2 =	por $0x0, $0x0;
	[tilespmem:s19+$0x0 ss:$0x81] =	vst.msk $0xffff, v2  }
0x3d: {  	s16 =	sshll.u32 s13, $0x3;
	s17 =	sand.u32 $0x78, s13;
	s14 =	sshll.u32 s14, $0x11  }
.Ltmp5:
0x3e: {  	s30 =	sand.u32 $0x1F800, s13;
	s16 =	sand.u32 $0x3C00, s16;
	(pc) =	sbr.rel .LBB1_7-.Ltmp5, $4  }
0x3f: {  	s31 =	sand.u32 $0x7, s13;
	s14 =	sadd.s32 s3, s14;
	s16 =	sor.u32 s17, s16  }
0x40: {  	s13 =	sshll.u32 s31, $0x12;
	s14 =	sadd.s32 s30, s14;
	s16 =	sshrl.u32 s16, $0x3  }
0x41: {  	s13 =	sor.u32 $0x400, s13;
	s14 =	sadd.s32 s16, s14  }
0x42: {  	[hbm4b:s14+s13] =	stream.strided.scatter [tilespmem:s15], [sflag:$0x2], $0x4000, s9, s13, $0x20;
	[tilespmem:$0x10100] =	vst v63  }
.LBB1_8:
0x43: {  	_ =	sfence.sel $0x180000  }
0x44: {  	s2 =	simm.s32 $0x1;
	[bflag:$0x0] =	sbarrier.arrive $0xFFFF  }
0x45: {  	s31 =	simm.s32 $0x2;
	[sflag:s2] =	ssyncpa.u1 $0x1  }
0x46: {  	[sflag:s31] =	ssyncpa.u1 $0x1  }
0x47: {  	p0 =	sne.s32 s0, $0x0;
	_ =	strace $0x9000004A  }
0x48: {  	s0 =	sadd.s32 @!p0 $0x100000, s1;
	[bflag:$0x2] =	sbarrier.arrive $0xFFFF  }
0x49: {  	[sflag:s0] =	ssyncadd.tile.s32 @!p0 $0x1;
	_ =	shalt  }
.Lfunc_end1:
_tile_overlayer_lowered:
.L_overlay_start_2:
0x4a: {  	(tag) =	ssettag $0x2  }
0x4b: {  	s0 =	rddreg [dreg:$0x0];
	s2 =	stileid.u32  }
0x4c: {  	s1 =	rddreg [dreg:$0x1];
	p0 =	sne.s32 s2, $0x0  }
0x4d: {  	s3 =	rddreg [dreg:$0x2];
	[bflag:$0x3] =	sbarrier.arrive $0xFFFF;
	s2 =	simm.s32 @!p0 $0x1C01  }
0x4e: {  	[timem:s3], [sflag:s2] =	dma.local @!p0 [hbm:s0], s1  }
0x4f: {  	s0 =	simm.s32 @!p0 $0x1  }
0x50: {  	_ =	swait.ge @!p0 [sflag:s0], s1  }
0x51: {  	s1 =	ssub.s32 @!p0 $0x0, s1;
	[sflag:s0] =	ssyncset.done @!p0 $0x0  }
0x52: {  	[sflag:s0] =	ssyncadd.s32 @!p0 s1  }
0x53: {  	[bflag:$0x3] =	sbarrier.arrive $0xFFFF  }
0x54: {  	_ =	shalt  }

</sc_bundles>
